<compile_context>
chip_gen: v7x
topology: tpu7x:2x2x1
jax: 0.10.2.dev20260603
libtpu: 0.0.44.dev20260713+nightly
codegen_flags: <defaults>
</compile_context>

<pallas_src>
import functools

import jax
import jax.numpy as jnp
from jax import lax
from jax.experimental import pallas as pl
from jax.experimental.pallas import tpu as pltpu
from jax.experimental.pallas import tpu_sc as plsc

B = 16384
L = 50
D = 16
REG_SCALE = 1e-05
TOT = B * L

NC = 2
NS = 16
NW = NC * NS
RW = TOT // NW
CHUNK = 128
GPC = 20
SC_ROWS = CHUNK * GPC
NSC = RW // SC_ROWS
IDXR = RW // CHUNK
U_RW = B // NW
U_G = U_RW // CHUNK


def _sc_items_body(item_tab, items2d, ig_out, idx_v, buf, sem):
    wid = lax.axis_index("s") * NC + lax.axis_index("c")
    pltpu.sync_copy(items2d.at[pl.ds(wid * IDXR, IDXR)], idx_v)

    def body(s, carry):
        ds_ = [pltpu.async_copy(item_tab.at[idx_v.at[s * GPC + j]],
                                buf.at[pl.ds(j * CHUNK, CHUNK)], sem)
               for j in range(GPC)]
        for d_ in ds_:
            d_.wait()
        pltpu.sync_copy(buf, ig_out.at[pl.ds(wid * RW + s * SC_ROWS, SC_ROWS)])
        return carry

    lax.fori_loop(0, NSC, body, 0)


def _sc_user_body(user_tab, user2d, ug_out, uidx_v, buf, sem):
    wid = lax.axis_index("s") * NC + lax.axis_index("c")
    pltpu.sync_copy(user2d.at[pl.ds(wid * U_G, U_G)], uidx_v)
    uds = [pltpu.async_copy(user_tab.at[uidx_v.at[j]],
                            buf.at[pl.ds(j * CHUNK, CHUNK)], sem)
           for j in range(U_G)]
    for d_ in uds:
        d_.wait()
    pltpu.sync_copy(buf, ug_out.at[pl.ds(wid * U_RW, U_RW)])


def _make_sc_items():
    return functools.partial(
        pl.kernel,
        mesh=plsc.VectorSubcoreMesh(core_axis_name="c", subcore_axis_name="s"),
        out_type=jax.ShapeDtypeStruct((TOT, D), jnp.float32),
        scratch_types=[
            pltpu.VMEM((IDXR, CHUNK), jnp.int32),
            pltpu.VMEM((SC_ROWS, D), jnp.float32),
            pltpu.SemaphoreType.DMA,
        ],
        compiler_params=pltpu.CompilerParams(use_tc_tiling_on_sc=False),
    )(_sc_items_body)


def _make_sc_user():
    return functools.partial(
        pl.kernel,
        mesh=plsc.VectorSubcoreMesh(core_axis_name="c", subcore_axis_name="s"),
        out_type=jax.ShapeDtypeStruct((B, D), jnp.float32),
        scratch_types=[
            pltpu.VMEM((U_G, CHUNK), jnp.int32),
            pltpu.VMEM((U_RW, D), jnp.float32),
            pltpu.SemaphoreType.DMA,
        ],
        compiler_params=pltpu.CompilerParams(use_tc_tiling_on_sc=False),
    )(_sc_user_body)


TRANS_LANES = 16384
TROWS = TRANS_LANES // 8
N_TAB = 1000000
TGRID = (N_TAB + TRANS_LANES - 1) // TRANS_LANES
N_UNITS = TGRID * TRANS_LANES


def _transpose_body(tab_ref, out_ref):
    x = tab_ref[...]
    z = x.reshape(D, 128, 128).transpose(1, 0, 2).reshape(TROWS, 128)
    v = z.reshape(16, 128, 128).transpose(0, 2, 1)
    out_ref[...] = v.reshape(TROWS, 128)


_transpose_call = pl.pallas_call(
    _transpose_body,
    grid=(TGRID,),
    in_specs=[pl.BlockSpec((D, TRANS_LANES), lambda i: (0, i))],
    out_specs=pl.BlockSpec((TROWS, 128), lambda i: (i, 0)),
    out_shape=jax.ShapeDtypeStruct((TGRID * TROWS, 128), jnp.float32),
)


def _permute_idx(r):
    return ((r >> 10) << 10) | ((r & 127) << 3) | ((r >> 7) & 7)


QB = B // 8


def _fused_body(ig_ref, ug_ref, wut_ref, bu_ref, wit_ref, bi_ref,
                ids_ref, rw_ref, gan_ref, reg_ref,
                ue_scr, sumexp_scr, sel_scr, wi128_scr, seg_scr):
    l = pl.program_id(0)

    @pl.when(l == 0)
    def _():
        r128 = lax.broadcasted_iota(jnp.int32, (128, 128), 0)
        c128 = lax.broadcasted_iota(jnp.int32, (128, 128), 1)
        blk = (r128 // D) == (c128 // D)
        wut = jnp.tile(wut_ref[...], (8, 8))
        wit = jnp.tile(wit_ref[...], (8, 8))
        wu128 = jnp.where(blk, wut, 0.0)
        wi128_scr[...] = jnp.where(blk, wit, 0.0)
        seg8 = lax.broadcasted_iota(jnp.int32, (128, 8), 0) // D
        seg_scr[...] = jnp.where(
            seg8 == lax.broadcasted_iota(jnp.int32, (128, 8), 1), 1.0, 0.0)
        bu128 = jnp.tile(bu_ref[...], (1, 8))
        ue_scr[...] = jnp.dot(ug_ref[...], wu128,
                              preferred_element_type=jnp.float32) + bu128
        sumexp_scr[...] = jnp.zeros_like(sumexp_scr)
        sel_scr[...] = jnp.zeros_like(sel_scr)

    ie = jnp.dot(ig_ref[...], wi128_scr[...],
                 preferred_element_type=jnp.float32) + jnp.tile(bi_ref[...], (1, 8))
    diff = ie - ue_scr[...]
    d2g = jnp.dot(diff * diff, seg_scr[...],
                  preferred_element_type=jnp.float32)
    dist = jnp.sqrt(d2g) + 1e-06
    sumexp_scr[...] += jnp.exp(dist)
    sel_scr[...] += jnp.where(ids_ref[...] == l, dist, 0.0)

    ie2 = jnp.sum(ie * ie)

    @pl.when(l == 0)
    def _():
        reg_ref[...] = (jnp.sum(ue_scr[...] * ue_scr[...]) + ie2)[None, None]
        gan_ref[...] = jnp.zeros_like(gan_ref)

    @pl.when(l != 0)
    def _():
        reg_ref[...] += ie2[None, None]

    @pl.when(l == L - 1)
    def _():
        lse = jnp.log(sumexp_scr[...])
        gan_ref[...] = jnp.sum((sel_scr[...] - lse) * rw_ref[...])[None, None]


_fused_call = pl.pallas_call(
    _fused_body,
    grid=(L,),
    in_specs=[
        pl.BlockSpec((QB, 128), lambda l: (l, 0)),
        pl.BlockSpec((QB, 128), lambda l: (0, 0)),
        pl.BlockSpec((D, D), lambda l: (0, 0)),
        pl.BlockSpec((1, D), lambda l: (0, 0)),
        pl.BlockSpec((D, D), lambda l: (0, 0)),
        pl.BlockSpec((1, D), lambda l: (0, 0)),
        pl.BlockSpec((QB, 8), lambda l: (0, 0)),
        pl.BlockSpec((QB, 8), lambda l: (0, 0)),
    ],
    out_specs=[
        pl.BlockSpec((1, 1), lambda l: (0, 0)),
        pl.BlockSpec((1, 1), lambda l: (0, 0)),
    ],
    out_shape=[jax.ShapeDtypeStruct((1, 1), jnp.float32),
               jax.ShapeDtypeStruct((1, 1), jnp.float32)],
    scratch_shapes=[
        pltpu.VMEM((QB, 128), jnp.float32),
        pltpu.VMEM((QB, 8), jnp.float32),
        pltpu.VMEM((QB, 8), jnp.float32),
        pltpu.VMEM((128, 128), jnp.float32),
        pltpu.VMEM((128, 8), jnp.float32),
    ],
)


def kernel(user, items, ids, reward, user_embedding, item_embedding,
           umlp_w, umlp_b, imlp_w, imlp_b):
    user = user.astype(jnp.int32)
    items = items.astype(jnp.int32)
    ids = ids.astype(jnp.int32)
    items_lm = _permute_idx(items.T).reshape(TOT // CHUNK, CHUNK)
    user2d = _permute_idx(user).reshape(B // CHUNK, CHUNK)

    item_lin = _transpose_call(item_embedding.T).reshape(N_UNITS, D)
    ig = _make_sc_items()(item_lin, items_lm)
    user_lin = _transpose_call(user_embedding.T).reshape(N_UNITS, D)
    ug = _make_sc_user()(user_lin, user2d)

    ig128 = ig.reshape(TOT // 8, 128)
    ug128 = ug.reshape(B // 8, 128)
    ids8 = ids.reshape(QB, 8)
    rw8 = reward.reshape(QB, 8)

    gan_sum, reg_sum = _fused_call(ig128, ug128, umlp_w.T,
                                   umlp_b.reshape(1, D), imlp_w.T,
                                   imlp_b.reshape(1, D), ids8, rw8)

    gan_loss = -(gan_sum[0, 0] / float(B))
    reg_loss = REG_SCALE * 0.5 * reg_sum[0, 0]
    return (gan_loss, reg_loss)

# --- scband reference (transcript-rebuilt; emitter-appended) ---
"""Pipeline reference for scband-generator-55078660604243 (READ-ONLY COPY).

The authoritative reference and input builder live on the scoring server;
editing this copy changes nothing except your own understanding.
"""

import jax, jax.numpy as jnp
import numpy as np
import math

B = 16384
L = 50
N_USER = 1000000
N_ITEM = 1000000
D = 16
REGS = 1e-05

def _xavier(key, shape):
    fan_in, fan_out = shape[1], shape[0]
    bound = math.sqrt(6.0 / (fan_in + fan_out))
    return jax.random.uniform(key, shape, minval=-bound, maxval=bound, dtype=jnp.float32)

def setup_inputs(seed: int = 0) -> dict:
    key = jax.random.key(seed)
    ks = jax.random.split(key, 10)
    user = jax.random.randint(ks[0], (B,), 0, N_USER, dtype=jnp.int64)
    items = jax.random.randint(ks[1], (B, L), 0, N_ITEM, dtype=jnp.int64)
    ids = jax.random.randint(ks[2], (B, 1), 0, L, dtype=jnp.int64)
    reward = jax.random.uniform(ks[3], (B,), dtype=jnp.float32)
    # xavier_uniform on [n, d] parameter: bound = sqrt(6/(n + d))
    ub = math.sqrt(6.0 / (N_USER + D))
    ib = math.sqrt(6.0 / (N_ITEM + D))
    user_embedding = jax.random.uniform(ks[4], (N_USER, D), minval=-ub, maxval=ub, dtype=jnp.float32)
    item_embedding = jax.random.uniform(ks[5], (N_ITEM, D), minval=-ib, maxval=ib, dtype=jnp.float32)
    umlp_w = _xavier(ks[6], (D, D))
    umlp_b = jnp.zeros((D,), dtype=jnp.float32)
    imlp_w = _xavier(ks[7], (D, D))
    imlp_b = jnp.zeros((D,), dtype=jnp.float32)
    return {"user": user, "items": items, "ids": ids, "reward": reward,
            "user_embedding": user_embedding, "item_embedding": item_embedding,
            "umlp_w": umlp_w, "umlp_b": umlp_b, "imlp_w": imlp_w, "imlp_b": imlp_b}

def euclidean_distance(a, b):
    return jnp.sqrt(jnp.sum((a - b) ** 2, axis=-1))

def l2_loss(*tensors):
    return sum(0.5 * jnp.sum(t ** 2) for t in tensors)

def reference(user, items, ids, reward, user_embedding, item_embedding, umlp_w, umlp_b, imlp_w, imlp_b):
    u_gather = jnp.take(user_embedding, user, axis=0)          # [B, D] gather
    i_gather = jnp.take(item_embedding, items, axis=0)         # [B, L, D] gather
    u_e = jnp.dot(u_gather, umlp_w.T) + umlp_b                  # [B, D]
    i_e = jnp.dot(i_gather, imlp_w.T) + imlp_b                  # [B, L, D]
    u_e = u_e[:, None, :]                                       # [B, 1, D]
    distance = euclidean_distance(u_e, i_e) + 1e-06             # [B, L]
    prob = jax.nn.softmax(distance, axis=-1)                    # [B, L]
    reg_loss = REGS * l2_loss(u_e, i_e)
    row_ids = jnp.arange(B, dtype=jnp.int64)[:, None]           # [B, 1]
    good_prob = prob[row_ids, ids].squeeze()                    # [B]
    gan_loss = -jnp.mean(jnp.log(good_prob) * reward)
    return (gan_loss, reg_loss)

if __name__ == "__main__":
    import jax
    _d = setup_inputs()
    print(jax.jit(kernel)(*tuple(_d.values())))

</pallas_src>

<mosaic_0001>
#map = affine_map<(d0, d1) -> (0, 0)>
module attributes {stable_mosaic.version = 14 : i64} {
  func.func @_sc_items_body(%arg0: i32, %arg1: i32, %arg2: memref<1015808x16xf32, #tpu.memory_space<hbm>>, %arg3: memref<6400x128xi32, #tpu.memory_space<hbm>>, %arg4: memref<819200x16xf32, #tpu.memory_space<hbm>>, %arg5: memref<200x128xi32, #tpu.memory_space<vmem>>, %arg6: memref<2560x16xf32, #tpu.memory_space<vmem>>, %arg7: memref<!tpu.dma_semaphore, #tpu.memory_space<semaphore_mem>>) attributes {dimension_semantics = [#tpu.dimension_semantics<core_parallel>, #tpu.dimension_semantics<subcore_parallel>], iteration_bounds = array<i64: 2, 16>, scalar_prefetch = 0 : i64, scratch_operands = 3 : i64, tpu.core_type = #tpu.core_type<sc_vector_subcore>, window_params = [{transform_indices = #map}, {transform_indices = #map}, {transform_indices = #map}]} {
    %mul3A = arith.constant 2 : i32
    %mul3A_0 = arith.muli %arg1, %mul3A : i32
    %add3A = arith.addi %mul3A_0, %arg0 : i32
    %mul3A_1 = arith.constant 200 : i32
    %mul3A_2 = arith.muli %add3A, %mul3A_1 : i32
    "tpu.region"() ({
      %run_scoped3A = tpu.sem_alloc : memref<!tpu.dma_semaphore, #tpu.memory_space<semaphore_mem>>
      %dma_start3A = arith.constant 0 : i32
      %dma_start3A_8 = tpu.memref_slice %arg3[%mul3A_2, %dma_start3A] : memref<6400x128xi32, #tpu.memory_space<hbm>> -> memref<200x128xi32, #tpu.memory_space<hbm>>
      %dma_start3A_9 = arith.constant 0 : i32
      %dma_start3A_10 = tpu.memref_slice %arg3[%mul3A_2, %dma_start3A_9] : memref<6400x128xi32, #tpu.memory_space<hbm>> -> memref<200x128xi32, #tpu.memory_space<hbm>>
      tpu.enqueue_dma source(%dma_start3A_10 : memref<200x128xi32, #tpu.memory_space<hbm>>) target(%arg5 : memref<200x128xi32, #tpu.memory_space<vmem>>) target_semaphore(%run_scoped3A : memref<!tpu.dma_semaphore, #tpu.memory_space<semaphore_mem>>)
      %dma_wait3A = arith.constant 0 : i32
      %dma_wait3A_11 = tpu.memref_slice %arg3[%mul3A_2, %dma_wait3A] : memref<6400x128xi32, #tpu.memory_space<hbm>> -> memref<200x128xi32, #tpu.memory_space<hbm>>
      %dma_wait3A_12 = arith.constant 0 : i32
      %dma_wait3A_13 = tpu.memref_slice %arg3[%mul3A_2, %dma_wait3A_12] : memref<6400x128xi32, #tpu.memory_space<hbm>> -> memref<200x128xi32, #tpu.memory_space<hbm>>
      tpu.wait_dma2 semaphore(%run_scoped3A : memref<!tpu.dma_semaphore, #tpu.memory_space<semaphore_mem>>) src(%dma_wait3A_13 : memref<200x128xi32, #tpu.memory_space<hbm>>) dst(%arg5 : memref<200x128xi32, #tpu.memory_space<vmem>>)
      tpu.yield
    }) : () -> ()
    %scan3A = arith.constant 0 : i32
    %scan3A_3 = arith.constant 0 : i32
    %scan3A_4 = arith.constant 10 : i32
    %scan3A_5 = arith.addi %scan3A_3, %scan3A_4 : i32
    %scan3A_6 = arith.constant 1 : i32
    scf.for %scan3A_8 = %scan3A_3 to %scan3A_5 step %scan3A_6  : i32 {
      %mul3A_9 = arith.constant 20 : i32
      %mul3A_10 = arith.muli %scan3A_8, %mul3A_9 : i32
      %add3A_11 = arith.constant 0 : i32
      %add3A_12 = arith.addi %mul3A_10, %add3A_11 : i32
      %dma_start3A = arith.constant 0 : i32
      %dma_start3A_13 = arith.constant 0 : i32
      %dma_start3A_14 = tpu.memref_slice %arg6[%dma_start3A, %dma_start3A_13] : memref<2560x16xf32, #tpu.memory_space<vmem>> -> memref<128x16xf32, #tpu.memory_space<vmem>>
      %dma_start3A_15 = arith.constant 0 : i32
      %dma_start3A_16 = tpu.memref_slice %arg5[%add3A_12, %dma_start3A_15] : memref<200x128xi32, #tpu.memory_space<vmem>> -> memref<1x128xi32, #tpu.memory_space<vmem>>
      %dma_start3A_17 = tpu.memref_squeeze %dma_start3A_16 : memref<1x128xi32, #tpu.memory_space<vmem>> -> memref<128xi32, #tpu.memory_space<vmem>>
      %dma_start3A_18 = arith.constant 0 : i32
      %dma_start3A_19 = arith.constant 0 : i32
      %dma_start3A_20 = tpu.memref_slice %arg2[%dma_start3A_18, %dma_start3A_19] : memref<1015808x16xf32, #tpu.memory_space<hbm>> -> memref<1015808x16xf32, #tpu.memory_space<hbm>>
      tpu.enqueue_indirect_dma source(%dma_start3A_20 : memref<1015808x16xf32, #tpu.memory_space<hbm>>) target(%dma_start3A_14 : memref<128x16xf32, #tpu.memory_space<vmem>>) offsets(%dma_start3A_17 : memref<128xi32, #tpu.memory_space<vmem>>) semaphore(%arg7 : memref<!tpu.dma_semaphore, #tpu.memory_space<semaphore_mem>>)
      %mul3A_21 = arith.constant 20 : i32
      %mul3A_22 = arith.muli %scan3A_8, %mul3A_21 : i32
      %add3A_23 = arith.constant 1 : i32
      %add3A_24 = arith.addi %mul3A_22, %add3A_23 : i32
      %dma_start3A_25 = arith.constant 128 : i32
      %dma_start3A_26 = arith.constant 0 : i32
      %dma_start3A_27 = tpu.memref_slice %arg6[%dma_start3A_25, %dma_start3A_26] : memref<2560x16xf32, #tpu.memory_space<vmem>> -> memref<128x16xf32, #tpu.memory_space<vmem>>
      %dma_start3A_28 = arith.constant 0 : i32
      %dma_start3A_29 = tpu.memref_slice %arg5[%add3A_24, %dma_start3A_28] : memref<200x128xi32, #tpu.memory_space<vmem>> -> memref<1x128xi32, #tpu.memory_space<vmem>>
      %dma_start3A_30 = tpu.memref_squeeze %dma_start3A_29 : memref<1x128xi32, #tpu.memory_space<vmem>> -> memref<128xi32, #tpu.memory_space<vmem>>
      %dma_start3A_31 = arith.constant 0 : i32
      %dma_start3A_32 = arith.constant 0 : i32
      %dma_start3A_33 = tpu.memref_slice %arg2[%dma_start3A_31, %dma_start3A_32] : memref<1015808x16xf32, #tpu.memory_space<hbm>> -> memref<1015808x16xf32, #tpu.memory_space<hbm>>
      tpu.enqueue_indirect_dma source(%dma_start3A_33 : memref<1015808x16xf32, #tpu.memory_space<hbm>>) target(%dma_start3A_27 : memref<128x16xf32, #tpu.memory_space<vmem>>) offsets(%dma_start3A_30 : memref<128xi32, #tpu.memory_space<vmem>>) semaphore(%arg7 : memref<!tpu.dma_semaphore, #tpu.memory_space<semaphore_mem>>)
      %mul3A_34 = arith.constant 20 : i32
      %mul3A_35 = arith.muli %scan3A_8, %mul3A_34 : i32
      %add3A_36 = arith.constant 2 : i32
      %add3A_37 = arith.addi %mul3A_35, %add3A_36 : i32
      %dma_start3A_38 = arith.constant 256 : i32
      %dma_start3A_39 = arith.constant 0 : i32
      %dma_start3A_40 = tpu.memref_slice %arg6[%dma_start3A_38, %dma_start3A_39] : memref<2560x16xf32, #tpu.memory_space<vmem>> -> memref<128x16xf32, #tpu.memory_space<vmem>>
      %dma_start3A_41 = arith.constant 0 : i32
      %dma_start3A_42 = tpu.memref_slice %arg5[%add3A_37, %dma_start3A_41] : memref<200x128xi32, #tpu.memory_space<vmem>> -> memref<1x128xi32, #tpu.memory_space<vmem>>
      %dma_start3A_43 = tpu.memref_squeeze %dma_start3A_42 : memref<1x128xi32, #tpu.memory_space<vmem>> -> memref<128xi32, #tpu.memory_space<vmem>>
      %dma_start3A_44 = arith.constant 0 : i32
      %dma_start3A_45 = arith.constant 0 : i32
      %dma_start3A_46 = tpu.memref_slice %arg2[%dma_start3A_44, %dma_start3A_45] : memref<1015808x16xf32, #tpu.memory_space<hbm>> -> memref<1015808x16xf32, #tpu.memory_space<hbm>>
      tpu.enqueue_indirect_dma source(%dma_start3A_46 : memref<1015808x16xf32, #tpu.memory_space<hbm>>) target(%dma_start3A_40 : memref<128x16xf32, #tpu.memory_space<vmem>>) offsets(%dma_start3A_43 : memref<128xi32, #tpu.memory_space<vmem>>) semaphore(%arg7 : memref<!tpu.dma_semaphore, #tpu.memory_space<semaphore_mem>>)
      %mul3A_47 = arith.constant 20 : i32
      %mul3A_48 = arith.muli %scan3A_8, %mul3A_47 : i32
      %add3A_49 = arith.constant 3 : i32
      %add3A_50 = arith.addi %mul3A_48, %add3A_49 : i32
      %dma_start3A_51 = arith.constant 384 : i32
      %dma_start3A_52 = arith.constant 0 : i32
      %dma_start3A_53 = tpu.memref_slice %arg6[%dma_start3A_51, %dma_start3A_52] : memref<2560x16xf32, #tpu.memory_space<vmem>> -> memref<128x16xf32, #tpu.memory_space<vmem>>
      %dma_start3A_54 = arith.constant 0 : i32
      %dma_start3A_55 = tpu.memref_slice %arg5[%add3A_50, %dma_start3A_54] : memref<200x128xi32, #tpu.memory_space<vmem>> -> memref<1x128xi32, #tpu.memory_space<vmem>>
      %dma_start3A_56 = tpu.memref_squeeze %dma_start3A_55 : memref<1x128xi32, #tpu.memory_space<vmem>> -> memref<128xi32, #tpu.memory_space<vmem>>
      %dma_start3A_57 = arith.constant 0 : i32
      %dma_start3A_58 = arith.constant 0 : i32
      %dma_start3A_59 = tpu.memref_slice %arg2[%dma_start3A_57, %dma_start3A_58] : memref<1015808x16xf32, #tpu.memory_space<hbm>> -> memref<1015808x16xf32, #tpu.memory_space<hbm>>
      tpu.enqueue_indirect_dma source(%dma_start3A_59 : memref<1015808x16xf32, #tpu.memory_space<hbm>>) target(%dma_start3A_53 : memref<128x16xf32, #tpu.memory_space<vmem>>) offsets(%dma_start3A_56 : memref<128xi32, #tpu.memory_space<vmem>>) semaphore(%arg7 : memref<!tpu.dma_semaphore, #tpu.memory_space<semaphore_mem>>)
      %mul3A_60 = arith.constant 20 : i32
      %mul3A_61 = arith.muli %scan3A_8, %mul3A_60 : i32
      %add3A_62 = arith.constant 4 : i32
      %add3A_63 = arith.addi %mul3A_61, %add3A_62 : i32
      %dma_start3A_64 = arith.constant 512 : i32
      %dma_start3A_65 = arith.constant 0 : i32
      %dma_start3A_66 = tpu.memref_slice %arg6[%dma_start3A_64, %dma_start3A_65] : memref<2560x16xf32, #tpu.memory_space<vmem>> -> memref<128x16xf32, #tpu.memory_space<vmem>>
      %dma_start3A_67 = arith.constant 0 : i32
      %dma_start3A_68 = tpu.memref_slice %arg5[%add3A_63, %dma_start3A_67] : memref<200x128xi32, #tpu.memory_space<vmem>> -> memref<1x128xi32, #tpu.memory_space<vmem>>
      %dma_start3A_69 = tpu.memref_squeeze %dma_start3A_68 : memref<1x128xi32, #tpu.memory_space<vmem>> -> memref<128xi32, #tpu.memory_space<vmem>>
      %dma_start3A_70 = arith.constant 0 : i32
      %dma_start3A_71 = arith.constant 0 : i32
      %dma_start3A_72 = tpu.memref_slice %arg2[%dma_start3A_70, %dma_start3A_71] : memref<1015808x16xf32, #tpu.memory_space<hbm>> -> memref<1015808x16xf32, #tpu.memory_space<hbm>>
      tpu.enqueue_indirect_dma source(%dma_start3A_72 : memref<1015808x16xf32, #tpu.memory_space<hbm>>) target(%dma_start3A_66 : memref<128x16xf32, #tpu.memory_space<vmem>>) offsets(%dma_start3A_69 : memref<128xi32, #tpu.memory_space<vmem>>) semaphore(%arg7 : memref<!tpu.dma_semaphore, #tpu.memory_space<semaphore_mem>>)
      %mul3A_73 = arith.constant 20 : i32
      %mul3A_74 = arith.muli %scan3A_8, %mul3A_73 : i32
      %add3A_75 = arith.constant 5 : i32
      %add3A_76 = arith.addi %mul3A_74, %add3A_75 : i32
      %dma_start3A_77 = arith.constant 640 : i32
      %dma_start3A_78 = arith.constant 0 : i32
      %dma_start3A_79 = tpu.memref_slice %arg6[%dma_start3A_77, %dma_start3A_78] : memref<2560x16xf32, #tpu.memory_space<vmem>> -> memref<128x16xf32, #tpu.memory_space<vmem>>
      %dma_start3A_80 = arith.constant 0 : i32
      %dma_start3A_81 = tpu.memref_slice %arg5[%add3A_76, %dma_start3A_80] : memref<200x128xi32, #tpu.memory_space<vmem>> -> memref<1x128xi32, #tpu.memory_space<vmem>>
      %dma_start3A_82 = tpu.memref_squeeze %dma_start3A_81 : memref<1x128xi32, #tpu.memory_space<vmem>> -> memref<128xi32, #tpu.memory_space<vmem>>
      %dma_start3A_83 = arith.constant 0 : i32
      %dma_start3A_84 = arith.constant 0 : i32
      %dma_start3A_85 = tpu.memref_slice %arg2[%dma_start3A_83, %dma_start3A_84] : memref<1015808x16xf32, #tpu.memory_space<hbm>> -> memref<1015808x16xf32, #tpu.memory_space<hbm>>
      tpu.enqueue_indirect_dma source(%dma_start3A_85 : memref<1015808x16xf32, #tpu.memory_space<hbm>>) target(%dma_start3A_79 : memref<128x16xf32, #tpu.memory_space<vmem>>) offsets(%dma_start3A_82 : memref<128xi32, #tpu.memory_space<vmem>>) semaphore(%arg7 : memref<!tpu.dma_semaphore, #tpu.memory_space<semaphore_mem>>)
      %mul3A_86 = arith.constant 20 : i32
      %mul3A_87 = arith.muli %scan3A_8, %mul3A_86 : i32
      %add3A_88 = arith.constant 6 : i32
      %add3A_89 = arith.addi %mul3A_87, %add3A_88 : i32
      %dma_start3A_90 = arith.constant 768 : i32
      %dma_start3A_91 = arith.constant 0 : i32
      %dma_start3A_92 = tpu.memref_slice %arg6[%dma_start3A_90, %dma_start3A_91] : memref<2560x16xf32, #tpu.memory_space<vmem>> -> memref<128x16xf32, #tpu.memory_space<vmem>>
      %dma_start3A_93 = arith.constant 0 : i32
      %dma_start3A_94 = tpu.memref_slice %arg5[%add3A_89, %dma_start3A_93] : memref<200x128xi32, #tpu.memory_space<vmem>> -> memref<1x128xi32, #tpu.memory_space<vmem>>
      %dma_start3A_95 = tpu.memref_squeeze %dma_start3A_94 : memref<1x128xi32, #tpu.memory_space<vmem>> -> memref<128xi32, #tpu.memory_space<vmem>>
      %dma_start3A_96 = arith.constant 0 : i32
      %dma_start3A_97 = arith.constant 0 : i32
      %dma_start3A_98 = tpu.memref_slice %arg2[%dma_start3A_96, %dma_start3A_97] : memref<1015808x16xf32, #tpu.memory_space<hbm>> -> memref<1015808x16xf32, #tpu.memory_space<hbm>>
      tpu.enqueue_indirect_dma source(%dma_start3A_98 : memref<1015808x16xf32, #tpu.memory_space<hbm>>) target(%dma_start3A_92 : memref<128x16xf32, #tpu.memory_space<vmem>>) offsets(%dma_start3A_95 : memref<128xi32, #tpu.memory_space<vmem>>) semaphore(%arg7 : memref<!tpu.dma_semaphore, #tpu.memory_space<semaphore_mem>>)
      %mul3A_99 = arith.constant 20 : i32
      %mul3A_100 = arith.muli %scan3A_8, %mul3A_99 : i32
      %add3A_101 = arith.constant 7 : i32
      %add3A_102 = arith.addi %mul3A_100, %add3A_101 : i32
      %dma_start3A_103 = arith.constant 896 : i32
      %dma_start3A_104 = arith.constant 0 : i32
      %dma_start3A_105 = tpu.memref_slice %arg6[%dma_start3A_103, %dma_start3A_104] : memref<2560x16xf32, #tpu.memory_space<vmem>> -> memref<128x16xf32, #tpu.memory_space<vmem>>
      %dma_start3A_106 = arith.constant 0 : i32
      %dma_start3A_107 = tpu.memref_slice %arg5[%add3A_102, %dma_start3A_106] : memref<200x128xi32, #tpu.memory_space<vmem>> -> memref<1x128xi32, #tpu.memory_space<vmem>>
      %dma_start3A_108 = tpu.memref_squeeze %dma_start3A_107 : memref<1x128xi32, #tpu.memory_space<vmem>> -> memref<128xi32, #tpu.memory_space<vmem>>
      %dma_start3A_109 = arith.constant 0 : i32
      %dma_start3A_110 = arith.constant 0 : i32
      %dma_start3A_111 = tpu.memref_slice %arg2[%dma_start3A_109, %dma_start3A_110] : memref<1015808x16xf32, #tpu.memory_space<hbm>> -> memref<1015808x16xf32, #tpu.memory_space<hbm>>
      tpu.enqueue_indirect_dma source(%dma_start3A_111 : memref<1015808x16xf32, #tpu.memory_space<hbm>>) target(%dma_start3A_105 : memref<128x16xf32, #tpu.memory_space<vmem>>) offsets(%dma_start3A_108 : memref<128xi32, #tpu.memory_space<vmem>>) semaphore(%arg7 : memref<!tpu.dma_semaphore, #tpu.memory_space<semaphore_mem>>)
      %mul3A_112 = arith.constant 20 : i32
      %mul3A_113 = arith.muli %scan3A_8, %mul3A_112 : i32
      %add3A_114 = arith.constant 8 : i32
      %add3A_115 = arith.addi %mul3A_113, %add3A_114 : i32
      %dma_start3A_116 = arith.constant 1024 : i32
      %dma_start3A_117 = arith.constant 0 : i32
      %dma_start3A_118 = tpu.memref_slice %arg6[%dma_start3A_116, %dma_start3A_117] : memref<2560x16xf32, #tpu.memory_space<vmem>> -> memref<128x16xf32, #tpu.memory_space<vmem>>
      %dma_start3A_119 = arith.constant 0 : i32
      %dma_start3A_120 = tpu.memref_slice %arg5[%add3A_115, %dma_start3A_119] : memref<200x128xi32, #tpu.memory_space<vmem>> -> memref<1x128xi32, #tpu.memory_space<vmem>>
      %dma_start3A_121 = tpu.memref_squeeze %dma_start3A_120 : memref<1x128xi32, #tpu.memory_space<vmem>> -> memref<128xi32, #tpu.memory_space<vmem>>
      %dma_start3A_122 = arith.constant 0 : i32
      %dma_start3A_123 = arith.constant 0 : i32
      %dma_start3A_124 = tpu.memref_slice %arg2[%dma_start3A_122, %dma_start3A_123] : memref<1015808x16xf32, #tpu.memory_space<hbm>> -> memref<1015808x16xf32, #tpu.memory_space<hbm>>
      tpu.enqueue_indirect_dma source(%dma_start3A_124 : memref<1015808x16xf32, #tpu.memory_space<hbm>>) target(%dma_start3A_118 : memref<128x16xf32, #tpu.memory_space<vmem>>) offsets(%dma_start3A_121 : memref<128xi32, #tpu.memory_space<vmem>>) semaphore(%arg7 : memref<!tpu.dma_semaphore, #tpu.memory_space<semaphore_mem>>)
      %mul3A_125 = arith.constant 20 : i32
      %mul3A_126 = arith.muli %scan3A_8, %mul3A_125 : i32
      %add3A_127 = arith.constant 9 : i32
      %add3A_128 = arith.addi %mul3A_126, %add3A_127 : i32
      %dma_start3A_129 = arith.constant 1152 : i32
      %dma_start3A_130 = arith.constant 0 : i32
      %dma_start3A_131 = tpu.memref_slice %arg6[%dma_start3A_129, %dma_start3A_130] : memref<2560x16xf32, #tpu.memory_space<vmem>> -> memref<128x16xf32, #tpu.memory_space<vmem>>
      %dma_start3A_132 = arith.constant 0 : i32
      %dma_start3A_133 = tpu.memref_slice %arg5[%add3A_128, %dma_start3A_132] : memref<200x128xi32, #tpu.memory_space<vmem>> -> memref<1x128xi32, #tpu.memory_space<vmem>>
      %dma_start3A_134 = tpu.memref_squeeze %dma_start3A_133 : memref<1x128xi32, #tpu.memory_space<vmem>> -> memref<128xi32, #tpu.memory_space<vmem>>
      %dma_start3A_135 = arith.constant 0 : i32
      %dma_start3A_136 = arith.constant 0 : i32
      %dma_start3A_137 = tpu.memref_slice %arg2[%dma_start3A_135, %dma_start3A_136] : memref<1015808x16xf32, #tpu.memory_space<hbm>> -> memref<1015808x16xf32, #tpu.memory_space<hbm>>
      tpu.enqueue_indirect_dma source(%dma_start3A_137 : memref<1015808x16xf32, #tpu.memory_space<hbm>>) target(%dma_start3A_131 : memref<128x16xf32, #tpu.memory_space<vmem>>) offsets(%dma_start3A_134 : memref<128xi32, #tpu.memory_space<vmem>>) semaphore(%arg7 : memref<!tpu.dma_semaphore, #tpu.memory_space<semaphore_mem>>)
      %mul3A_138 = arith.constant 20 : i32
      %mul3A_139 = arith.muli %scan3A_8, %mul3A_138 : i32
      %add3A_140 = arith.constant 10 : i32
      %add3A_141 = arith.addi %mul3A_139, %add3A_140 : i32
      %dma_start3A_142 = arith.constant 1280 : i32
      %dma_start3A_143 = arith.constant 0 : i32
      %dma_start3A_144 = tpu.memref_slice %arg6[%dma_start3A_142, %dma_start3A_143] : memref<2560x16xf32, #tpu.memory_space<vmem>> -> memref<128x16xf32, #tpu.memory_space<vmem>>
      %dma_start3A_145 = arith.constant 0 : i32
      %dma_start3A_146 = tpu.memref_slice %arg5[%add3A_141, %dma_start3A_145] : memref<200x128xi32, #tpu.memory_space<vmem>> -> memref<1x128xi32, #tpu.memory_space<vmem>>
      %dma_start3A_147 = tpu.memref_squeeze %dma_start3A_146 : memref<1x128xi32, #tpu.memory_space<vmem>> -> memref<128xi32, #tpu.memory_space<vmem>>
      %dma_start3A_148 = arith.constant 0 : i32
      %dma_start3A_149 = arith.constant 0 : i32
      %dma_start3A_150 = tpu.memref_slice %arg2[%dma_start3A_148, %dma_start3A_149] : memref<1015808x16xf32, #tpu.memory_space<hbm>> -> memref<1015808x16xf32, #tpu.memory_space<hbm>>
      tpu.enqueue_indirect_dma source(%dma_start3A_150 : memref<1015808x16xf32, #tpu.memory_space<hbm>>) target(%dma_start3A_144 : memref<128x16xf32, #tpu.memory_space<vmem>>) offsets(%dma_start3A_147 : memref<128xi32, #tpu.memory_space<vmem>>) semaphore(%arg7 : memref<!tpu.dma_semaphore, #tpu.memory_space<semaphore_mem>>)
      %mul3A_151 = arith.constant 20 : i32
      %mul3A_152 = arith.muli %scan3A_8, %mul3A_151 : i32
      %add3A_153 = arith.constant 11 : i32
      %add3A_154 = arith.addi %mul3A_152, %add3A_153 : i32
      %dma_start3A_155 = arith.constant 1408 : i32
      %dma_start3A_156 = arith.constant 0 : i32
      %dma_start3A_157 = tpu.memref_slice %arg6[%dma_start3A_155, %dma_start3A_156] : memref<2560x16xf32, #tpu.memory_space<vmem>> -> memref<128x16xf32, #tpu.memory_space<vmem>>
      %dma_start3A_158 = arith.constant 0 : i32
      %dma_start3A_159 = tpu.memref_slice %arg5[%add3A_154, %dma_start3A_158] : memref<200x128xi32, #tpu.memory_space<vmem>> -> memref<1x128xi32, #tpu.memory_space<vmem>>
      %dma_start3A_160 = tpu.memref_squeeze %dma_start3A_159 : memref<1x128xi32, #tpu.memory_space<vmem>> -> memref<128xi32, #tpu.memory_space<vmem>>
      %dma_start3A_161 = arith.constant 0 : i32
      %dma_start3A_162 = arith.constant 0 : i32
      %dma_start3A_163 = tpu.memref_slice %arg2[%dma_start3A_161, %dma_start3A_162] : memref<1015808x16xf32, #tpu.memory_space<hbm>> -> memref<1015808x16xf32, #tpu.memory_space<hbm>>
      tpu.enqueue_indirect_dma source(%dma_start3A_163 : memref<1015808x16xf32, #tpu.memory_space<hbm>>) target(%dma_start3A_157 : memref<128x16xf32, #tpu.memory_space<vmem>>) offsets(%dma_start3A_160 : memref<128xi32, #tpu.memory_space<vmem>>) semaphore(%arg7 : memref<!tpu.dma_semaphore, #tpu.memory_space<semaphore_mem>>)
      %mul3A_164 = arith.constant 20 : i32
      %mul3A_165 = arith.muli %scan3A_8, %mul3A_164 : i32
      %add3A_166 = arith.constant 12 : i32
      %add3A_167 = arith.addi %mul3A_165, %add3A_166 : i32
      %dma_start3A_168 = arith.constant 1536 : i32
      %dma_start3A_169 = arith.constant 0 : i32
      %dma_start3A_170 = tpu.memref_slice %arg6[%dma_start3A_168, %dma_start3A_169] : memref<2560x16xf32, #tpu.memory_space<vmem>> -> memref<128x16xf32, #tpu.memory_space<vmem>>
      %dma_start3A_171 = arith.constant 0 : i32
      %dma_start3A_172 = tpu.memref_slice %arg5[%add3A_167, %dma_start3A_171] : memref<200x128xi32, #tpu.memory_space<vmem>> -> memref<1x128xi32, #tpu.memory_space<vmem>>
      %dma_start3A_173 = tpu.memref_squeeze %dma_start3A_172 : memref<1x128xi32, #tpu.memory_space<vmem>> -> memref<128xi32, #tpu.memory_space<vmem>>
      %dma_start3A_174 = arith.constant 0 : i32
      %dma_start3A_175 = arith.constant 0 : i32
      %dma_start3A_176 = tpu.memref_slice %arg2[%dma_start3A_174, %dma_start3A_175] : memref<1015808x16xf32, #tpu.memory_space<hbm>> -> memref<1015808x16xf32, #tpu.memory_space<hbm>>
      tpu.enqueue_indirect_dma source(%dma_start3A_176 : memref<1015808x16xf32, #tpu.memory_space<hbm>>) target(%dma_start3A_170 : memref<128x16xf32, #tpu.memory_space<vmem>>) offsets(%dma_start3A_173 : memref<128xi32, #tpu.memory_space<vmem>>) semaphore(%arg7 : memref<!tpu.dma_semaphore, #tpu.memory_space<semaphore_mem>>)
      %mul3A_177 = arith.constant 20 : i32
      %mul3A_178 = arith.muli %scan3A_8, %mul3A_177 : i32
      %add3A_179 = arith.constant 13 : i32
      %add3A_180 = arith.addi %mul3A_178, %add3A_179 : i32
      %dma_start3A_181 = arith.constant 1664 : i32
      %dma_start3A_182 = arith.constant 0 : i32
      %dma_start3A_183 = tpu.memref_slice %arg6[%dma_start3A_181, %dma_start3A_182] : memref<2560x16xf32, #tpu.memory_space<vmem>> -> memref<128x16xf32, #tpu.memory_space<vmem>>
      %dma_start3A_184 = arith.constant 0 : i32
      %dma_start3A_185 = tpu.memref_slice %arg5[%add3A_180, %dma_start3A_184] : memref<200x128xi32, #tpu.memory_space<vmem>> -> memref<1x128xi32, #tpu.memory_space<vmem>>
      %dma_start3A_186 = tpu.memref_squeeze %dma_start3A_185 : memref<1x128xi32, #tpu.memory_space<vmem>> -> memref<128xi32, #tpu.memory_space<vmem>>
      %dma_start3A_187 = arith.constant 0 : i32
      %dma_start3A_188 = arith.constant 0 : i32
      %dma_start3A_189 = tpu.memref_slice %arg2[%dma_start3A_187, %dma_start3A_188] : memref<1015808x16xf32, #tpu.memory_space<hbm>> -> memref<1015808x16xf32, #tpu.memory_space<hbm>>
      tpu.enqueue_indirect_dma source(%dma_start3A_189 : memref<1015808x16xf32, #tpu.memory_space<hbm>>) target(%dma_start3A_183 : memref<128x16xf32, #tpu.memory_space<vmem>>) offsets(%dma_start3A_186 : memref<128xi32, #tpu.memory_space<vmem>>) semaphore(%arg7 : memref<!tpu.dma_semaphore, #tpu.memory_space<semaphore_mem>>)
      %mul3A_190 = arith.constant 20 : i32
      %mul3A_191 = arith.muli %scan3A_8, %mul3A_190 : i32
      %add3A_192 = arith.constant 14 : i32
      %add3A_193 = arith.addi %mul3A_191, %add3A_192 : i32
      %dma_start3A_194 = arith.constant 1792 : i32
      %dma_start3A_195 = arith.constant 0 : i32
      %dma_start3A_196 = tpu.memref_slice %arg6[%dma_start3A_194, %dma_start3A_195] : memref<2560x16xf32, #tpu.memory_space<vmem>> -> memref<128x16xf32, #tpu.memory_space<vmem>>
      %dma_start3A_197 = arith.constant 0 : i32
      %dma_start3A_198 = tpu.memref_slice %arg5[%add3A_193, %dma_start3A_197] : memref<200x128xi32, #tpu.memory_space<vmem>> -> memref<1x128xi32, #tpu.memory_space<vmem>>
      %dma_start3A_199 = tpu.memref_squeeze %dma_start3A_198 : memref<1x128xi32, #tpu.memory_space<vmem>> -> memref<128xi32, #tpu.memory_space<vmem>>
      %dma_start3A_200 = arith.constant 0 : i32
      %dma_start3A_201 = arith.constant 0 : i32
      %dma_start3A_202 = tpu.memref_slice %arg2[%dma_start3A_200, %dma_start3A_201] : memref<1015808x16xf32, #tpu.memory_space<hbm>> -> memref<1015808x16xf32, #tpu.memory_space<hbm>>
      tpu.enqueue_indirect_dma source(%dma_start3A_202 : memref<1015808x16xf32, #tpu.memory_space<hbm>>) target(%dma_start3A_196 : memref<128x16xf32, #tpu.memory_space<vmem>>) offsets(%dma_start3A_199 : memref<128xi32, #tpu.memory_space<vmem>>) semaphore(%arg7 : memref<!tpu.dma_semaphore, #tpu.memory_space<semaphore_mem>>)
      %mul3A_203 = arith.constant 20 : i32
      %mul3A_204 = arith.muli %scan3A_8, %mul3A_203 : i32
      %add3A_205 = arith.constant 15 : i32
      %add3A_206 = arith.addi %mul3A_204, %add3A_205 : i32
      %dma_start3A_207 = arith.constant 1920 : i32
      %dma_start3A_208 = arith.constant 0 : i32
      %dma_start3A_209 = tpu.memref_slice %arg6[%dma_start3A_207, %dma_start3A_208] : memref<2560x16xf32, #tpu.memory_space<vmem>> -> memref<128x16xf32, #tpu.memory_space<vmem>>
      %dma_start3A_210 = arith.constant 0 : i32
      %dma_start3A_211 = tpu.memref_slice %arg5[%add3A_206, %dma_start3A_210] : memref<200x128xi32, #tpu.memory_space<vmem>> -> memref<1x128xi32, #tpu.memory_space<vmem>>
      %dma_start3A_212 = tpu.memref_squeeze %dma_start3A_211 : memref<1x128xi32, #tpu.memory_space<vmem>> -> memref<128xi32, #tpu.memory_space<vmem>>
      %dma_start3A_213 = arith.constant 0 : i32
      %dma_start3A_214 = arith.constant 0 : i32
      %dma_start3A_215 = tpu.memref_slice %arg2[%dma_start3A_213, %dma_start3A_214] : memref<1015808x16xf32, #tpu.memory_space<hbm>> -> memref<1015808x16xf32, #tpu.memory_space<hbm>>
      tpu.enqueue_indirect_dma source(%dma_start3A_215 : memref<1015808x16xf32, #tpu.memory_space<hbm>>) target(%dma_start3A_209 : memref<128x16xf32, #tpu.memory_space<vmem>>) offsets(%dma_start3A_212 : memref<128xi32, #tpu.memory_space<vmem>>) semaphore(%arg7 : memref<!tpu.dma_semaphore, #tpu.memory_space<semaphore_mem>>)
      %mul3A_216 = arith.constant 20 : i32
      %mul3A_217 = arith.muli %scan3A_8, %mul3A_216 : i32
      %add3A_218 = arith.constant 16 : i32
      %add3A_219 = arith.addi %mul3A_217, %add3A_218 : i32
      %dma_start3A_220 = arith.constant 2048 : i32
      %dma_start3A_221 = arith.constant 0 : i32
      %dma_start3A_222 = tpu.memref_slice %arg6[%dma_start3A_220, %dma_start3A_221] : memref<2560x16xf32, #tpu.memory_space<vmem>> -> memref<128x16xf32, #tpu.memory_space<vmem>>
      %dma_start3A_223 = arith.constant 0 : i32
      %dma_start3A_224 = tpu.memref_slice %arg5[%add3A_219, %dma_start3A_223] : memref<200x128xi32, #tpu.memory_space<vmem>> -> memref<1x128xi32, #tpu.memory_space<vmem>>
      %dma_start3A_225 = tpu.memref_squeeze %dma_start3A_224 : memref<1x128xi32, #tpu.memory_space<vmem>> -> memref<128xi32, #tpu.memory_space<vmem>>
      %dma_start3A_226 = arith.constant 0 : i32
      %dma_start3A_227 = arith.constant 0 : i32
      %dma_start3A_228 = tpu.memref_slice %arg2[%dma_start3A_226, %dma_start3A_227] : memref<1015808x16xf32, #tpu.memory_space<hbm>> -> memref<1015808x16xf32, #tpu.memory_space<hbm>>
      tpu.enqueue_indirect_dma source(%dma_start3A_228 : memref<1015808x16xf32, #tpu.memory_space<hbm>>) target(%dma_start3A_222 : memref<128x16xf32, #tpu.memory_space<vmem>>) offsets(%dma_start3A_225 : memref<128xi32, #tpu.memory_space<vmem>>) semaphore(%arg7 : memref<!tpu.dma_semaphore, #tpu.memory_space<semaphore_mem>>)
      %mul3A_229 = arith.constant 20 : i32
      %mul3A_230 = arith.muli %scan3A_8, %mul3A_229 : i32
      %add3A_231 = arith.constant 17 : i32
      %add3A_232 = arith.addi %mul3A_230, %add3A_231 : i32
      %dma_start3A_233 = arith.constant 2176 : i32
      %dma_start3A_234 = arith.constant 0 : i32
      %dma_start3A_235 = tpu.memref_slice %arg6[%dma_start3A_233, %dma_start3A_234] : memref<2560x16xf32, #tpu.memory_space<vmem>> -> memref<128x16xf32, #tpu.memory_space<vmem>>
      %dma_start3A_236 = arith.constant 0 : i32
      %dma_start3A_237 = tpu.memref_slice %arg5[%add3A_232, %dma_start3A_236] : memref<200x128xi32, #tpu.memory_space<vmem>> -> memref<1x128xi32, #tpu.memory_space<vmem>>
      %dma_start3A_238 = tpu.memref_squeeze %dma_start3A_237 : memref<1x128xi32, #tpu.memory_space<vmem>> -> memref<128xi32, #tpu.memory_space<vmem>>
      %dma_start3A_239 = arith.constant 0 : i32
      %dma_start3A_240 = arith.constant 0 : i32
      %dma_start3A_241 = tpu.memref_slice %arg2[%dma_start3A_239, %dma_start3A_240] : memref<1015808x16xf32, #tpu.memory_space<hbm>> -> memref<1015808x16xf32, #tpu.memory_space<hbm>>
      tpu.enqueue_indirect_dma source(%dma_start3A_241 : memref<1015808x16xf32, #tpu.memory_space<hbm>>) target(%dma_start3A_235 : memref<128x16xf32, #tpu.memory_space<vmem>>) offsets(%dma_start3A_238 : memref<128xi32, #tpu.memory_space<vmem>>) semaphore(%arg7 : memref<!tpu.dma_semaphore, #tpu.memory_space<semaphore_mem>>)
      %mul3A_242 = arith.constant 20 : i32
      %mul3A_243 = arith.muli %scan3A_8, %mul3A_242 : i32
      %add3A_244 = arith.constant 18 : i32
      %add3A_245 = arith.addi %mul3A_243, %add3A_244 : i32
      %dma_start3A_246 = arith.constant 2304 : i32
      %dma_start3A_247 = arith.constant 0 : i32
      %dma_start3A_248 = tpu.memref_slice %arg6[%dma_start3A_246, %dma_start3A_247] : memref<2560x16xf32, #tpu.memory_space<vmem>> -> memref<128x16xf32, #tpu.memory_space<vmem>>
      %dma_start3A_249 = arith.constant 0 : i32
      %dma_start3A_250 = tpu.memref_slice %arg5[%add3A_245, %dma_start3A_249] : memref<200x128xi32, #tpu.memory_space<vmem>> -> memref<1x128xi32, #tpu.memory_space<vmem>>
      %dma_start3A_251 = tpu.memref_squeeze %dma_start3A_250 : memref<1x128xi32, #tpu.memory_space<vmem>> -> memref<128xi32, #tpu.memory_space<vmem>>
      %dma_start3A_252 = arith.constant 0 : i32
      %dma_start3A_253 = arith.constant 0 : i32
      %dma_start3A_254 = tpu.memref_slice %arg2[%dma_start3A_252, %dma_start3A_253] : memref<1015808x16xf32, #tpu.memory_space<hbm>> -> memref<1015808x16xf32, #tpu.memory_space<hbm>>
      tpu.enqueue_indirect_dma source(%dma_start3A_254 : memref<1015808x16xf32, #tpu.memory_space<hbm>>) target(%dma_start3A_248 : memref<128x16xf32, #tpu.memory_space<vmem>>) offsets(%dma_start3A_251 : memref<128xi32, #tpu.memory_space<vmem>>) semaphore(%arg7 : memref<!tpu.dma_semaphore, #tpu.memory_space<semaphore_mem>>)
      %mul3A_255 = arith.constant 20 : i32
      %mul3A_256 = arith.muli %scan3A_8, %mul3A_255 : i32
      %add3A_257 = arith.constant 19 : i32
      %add3A_258 = arith.addi %mul3A_256, %add3A_257 : i32
      %dma_start3A_259 = arith.constant 2432 : i32
      %dma_start3A_260 = arith.constant 0 : i32
      %dma_start3A_261 = tpu.memref_slice %arg6[%dma_start3A_259, %dma_start3A_260] : memref<2560x16xf32, #tpu.memory_space<vmem>> -> memref<128x16xf32, #tpu.memory_space<vmem>>
      %dma_start3A_262 = arith.constant 0 : i32
      %dma_start3A_263 = tpu.memref_slice %arg5[%add3A_258, %dma_start3A_262] : memref<200x128xi32, #tpu.memory_space<vmem>> -> memref<1x128xi32, #tpu.memory_space<vmem>>
      %dma_start3A_264 = tpu.memref_squeeze %dma_start3A_263 : memref<1x128xi32, #tpu.memory_space<vmem>> -> memref<128xi32, #tpu.memory_space<vmem>>
      %dma_start3A_265 = arith.constant 0 : i32
      %dma_start3A_266 = arith.constant 0 : i32
      %dma_start3A_267 = tpu.memref_slice %arg2[%dma_start3A_265, %dma_start3A_266] : memref<1015808x16xf32, #tpu.memory_space<hbm>> -> memref<1015808x16xf32, #tpu.memory_space<hbm>>
      tpu.enqueue_indirect_dma source(%dma_start3A_267 : memref<1015808x16xf32, #tpu.memory_space<hbm>>) target(%dma_start3A_261 : memref<128x16xf32, #tpu.memory_space<vmem>>) offsets(%dma_start3A_264 : memref<128xi32, #tpu.memory_space<vmem>>) semaphore(%arg7 : memref<!tpu.dma_semaphore, #tpu.memory_space<semaphore_mem>>)
      %dma_wait3A = arith.constant 0 : i32
      %dma_wait3A_268 = arith.constant 0 : i32
      %dma_wait3A_269 = tpu.memref_slice %arg6[%dma_wait3A, %dma_wait3A_268] : memref<2560x16xf32, #tpu.memory_space<vmem>> -> memref<128x16xf32, #tpu.memory_space<vmem>>
      %dma_wait3A_270 = arith.constant 0 : i32
      %dma_wait3A_271 = tpu.memref_slice %arg5[%add3A_12, %dma_wait3A_270] : memref<200x128xi32, #tpu.memory_space<vmem>> -> memref<1x128xi32, #tpu.memory_space<vmem>>
      %dma_wait3A_272 = tpu.memref_squeeze %dma_wait3A_271 : memref<1x128xi32, #tpu.memory_space<vmem>> -> memref<128xi32, #tpu.memory_space<vmem>>
      %dma_wait3A_273 = arith.constant 0 : i32
      %dma_wait3A_274 = arith.constant 0 : i32
      %dma_wait3A_275 = tpu.memref_slice %arg2[%dma_wait3A_273, %dma_wait3A_274] : memref<1015808x16xf32, #tpu.memory_space<hbm>> -> memref<1015808x16xf32, #tpu.memory_space<hbm>>
      tpu.wait_indirect_dma semaphore(%arg7 : memref<!tpu.dma_semaphore, #tpu.memory_space<semaphore_mem>>) src(%dma_wait3A_275 : memref<1015808x16xf32, #tpu.memory_space<hbm>>) dst(%dma_wait3A_269 : memref<128x16xf32, #tpu.memory_space<vmem>>)
      %dma_wait3A_276 = arith.constant 128 : i32
      %dma_wait3A_277 = arith.constant 0 : i32
      %dma_wait3A_278 = tpu.memref_slice %arg6[%dma_wait3A_276, %dma_wait3A_277] : memref<2560x16xf32, #tpu.memory_space<vmem>> -> memref<128x16xf32, #tpu.memory_space<vmem>>
      %dma_wait3A_279 = arith.constant 0 : i32
      %dma_wait3A_280 = tpu.memref_slice %arg5[%add3A_24, %dma_wait3A_279] : memref<200x128xi32, #tpu.memory_space<vmem>> -> memref<1x128xi32, #tpu.memory_space<vmem>>
      %dma_wait3A_281 = tpu.memref_squeeze %dma_wait3A_280 : memref<1x128xi32, #tpu.memory_space<vmem>> -> memref<128xi32, #tpu.memory_space<vmem>>
      %dma_wait3A_282 = arith.constant 0 : i32
      %dma_wait3A_283 = arith.constant 0 : i32
      %dma_wait3A_284 = tpu.memref_slice %arg2[%dma_wait3A_282, %dma_wait3A_283] : memref<1015808x16xf32, #tpu.memory_space<hbm>> -> memref<1015808x16xf32, #tpu.memory_space<hbm>>
      tpu.wait_indirect_dma semaphore(%arg7 : memref<!tpu.dma_semaphore, #tpu.memory_space<semaphore_mem>>) src(%dma_wait3A_284 : memref<1015808x16xf32, #tpu.memory_space<hbm>>) dst(%dma_wait3A_278 : memref<128x16xf32, #tpu.memory_space<vmem>>)
      %dma_wait3A_285 = arith.constant 256 : i32
      %dma_wait3A_286 = arith.constant 0 : i32
      %dma_wait3A_287 = tpu.memref_slice %arg6[%dma_wait3A_285, %dma_wait3A_286] : memref<2560x16xf32, #tpu.memory_space<vmem>> -> memref<128x16xf32, #tpu.memory_space<vmem>>
      %dma_wait3A_288 = arith.constant 0 : i32
      %dma_wait3A_289 = tpu.memref_slice %arg5[%add3A_37, %dma_wait3A_288] : memref<200x128xi32, #tpu.memory_space<vmem>> -> memref<1x128xi32, #tpu.memory_space<vmem>>
      %dma_wait3A_290 = tpu.memref_squeeze %dma_wait3A_289 : memref<1x128xi32, #tpu.memory_space<vmem>> -> memref<128xi32, #tpu.memory_space<vmem>>
      %dma_wait3A_291 = arith.constant 0 : i32
      %dma_wait3A_292 = arith.constant 0 : i32
      %dma_wait3A_293 = tpu.memref_slice %arg2[%dma_wait3A_291, %dma_wait3A_292] : memref<1015808x16xf32, #tpu.memory_space<hbm>> -> memref<1015808x16xf32, #tpu.memory_space<hbm>>
      tpu.wait_indirect_dma semaphore(%arg7 : memref<!tpu.dma_semaphore, #tpu.memory_space<semaphore_mem>>) src(%dma_wait3A_293 : memref<1015808x16xf32, #tpu.memory_space<hbm>>) dst(%dma_wait3A_287 : memref<128x16xf32, #tpu.memory_space<vmem>>)
      %dma_wait3A_294 = arith.constant 384 : i32
      %dma_wait3A_295 = arith.constant 0 : i32
      %dma_wait3A_296 = tpu.memref_slice %arg6[%dma_wait3A_294, %dma_wait3A_295] : memref<2560x16xf32, #tpu.memory_space<vmem>> -> memref<128x16xf32, #tpu.memory_space<vmem>>
      %dma_wait3A_297 = arith.constant 0 : i32
      %dma_wait3A_298 = tpu.memref_slice %arg5[%add3A_50, %dma_wait3A_297] : memref<200x128xi32, #tpu.memory_space<vmem>> -> memref<1x128xi32, #tpu.memory_space<vmem>>
      %dma_wait3A_299 = tpu.memref_squeeze %dma_wait3A_298 : memref<1x128xi32, #tpu.memory_space<vmem>> -> memref<128xi32, #tpu.memory_space<vmem>>
      %dma_wait3A_300 = arith.constant 0 : i32
      %dma_wait3A_301 = arith.constant 0 : i32
      %dma_wait3A_302 = tpu.memref_slice %arg2[%dma_wait3A_300, %dma_wait3A_301] : memref<1015808x16xf32, #tpu.memory_space<hbm>> -> memref<1015808x16xf32, #tpu.memory_space<hbm>>
      tpu.wait_indirect_dma semaphore(%arg7 : memref<!tpu.dma_semaphore, #tpu.memory_space<semaphore_mem>>) src(%dma_wait3A_302 : memref<1015808x16xf32, #tpu.memory_space<hbm>>) dst(%dma_wait3A_296 : memref<128x16xf32, #tpu.memory_space<vmem>>)
      %dma_wait3A_303 = arith.constant 512 : i32
      %dma_wait3A_304 = arith.constant 0 : i32
      %dma_wait3A_305 = tpu.memref_slice %arg6[%dma_wait3A_303, %dma_wait3A_304] : memref<2560x16xf32, #tpu.memory_space<vmem>> -> memref<128x16xf32, #tpu.memory_space<vmem>>
      %dma_wait3A_306 = arith.constant 0 : i32
      %dma_wait3A_307 = tpu.memref_slice %arg5[%add3A_63, %dma_wait3A_306] : memref<200x128xi32, #tpu.memory_space<vmem>> -> memref<1x128xi32, #tpu.memory_space<vmem>>
      %dma_wait3A_308 = tpu.memref_squeeze %dma_wait3A_307 : memref<1x128xi32, #tpu.memory_space<vmem>> -> memref<128xi32, #tpu.memory_space<vmem>>
      %dma_wait3A_309 = arith.constant 0 : i32
      %dma_wait3A_310 = arith.constant 0 : i32
      %dma_wait3A_311 = tpu.memref_slice %arg2[%dma_wait3A_309, %dma_wait3A_310] : memref<1015808x16xf32, #tpu.memory_space<hbm>> -> memref<1015808x16xf32, #tpu.memory_space<hbm>>
      tpu.wait_indirect_dma semaphore(%arg7 : memref<!tpu.dma_semaphore, #tpu.memory_space<semaphore_mem>>) src(%dma_wait3A_311 : memref<1015808x16xf32, #tpu.memory_space<hbm>>) dst(%dma_wait3A_305 : memref<128x16xf32, #tpu.memory_space<vmem>>)
      %dma_wait3A_312 = arith.constant 640 : i32
      %dma_wait3A_313 = arith.constant 0 : i32
      %dma_wait3A_314 = tpu.memref_slice %arg6[%dma_wait3A_312, %dma_wait3A_313] : memref<2560x16xf32, #tpu.memory_space<vmem>> -> memref<128x16xf32, #tpu.memory_space<vmem>>
      %dma_wait3A_315 = arith.constant 0 : i32
      %dma_wait3A_316 = tpu.memref_slice %arg5[%add3A_76, %dma_wait3A_315] : memref<200x128xi32, #tpu.memory_space<vmem>> -> memref<1x128xi32, #tpu.memory_space<vmem>>
      %dma_wait3A_317 = tpu.memref_squeeze %dma_wait3A_316 : memref<1x128xi32, #tpu.memory_space<vmem>> -> memref<128xi32, #tpu.memory_space<vmem>>
      %dma_wait3A_318 = arith.constant 0 : i32
      %dma_wait3A_319 = arith.constant 0 : i32
      %dma_wait3A_320 = tpu.memref_slice %arg2[%dma_wait3A_318, %dma_wait3A_319] : memref<1015808x16xf32, #tpu.memory_space<hbm>> -> memref<1015808x16xf32, #tpu.memory_space<hbm>>
      tpu.wait_indirect_dma semaphore(%arg7 : memref<!tpu.dma_semaphore, #tpu.memory_space<semaphore_mem>>) src(%dma_wait3A_320 : memref<1015808x16xf32, #tpu.memory_space<hbm>>) dst(%dma_wait3A_314 : memref<128x16xf32, #tpu.memory_space<vmem>>)
      %dma_wait3A_321 = arith.constant 768 : i32
      %dma_wait3A_322 = arith.constant 0 : i32
      %dma_wait3A_323 = tpu.memref_slice %arg6[%dma_wait3A_321, %dma_wait3A_322] : memref<2560x16xf32, #tpu.memory_space<vmem>> -> memref<128x16xf32, #tpu.memory_space<vmem>>
      %dma_wait3A_324 = arith.constant 0 : i32
      %dma_wait3A_325 = tpu.memref_slice %arg5[%add3A_89, %dma_wait3A_324] : memref<200x128xi32, #tpu.memory_space<vmem>> -> memref<1x128xi32, #tpu.memory_space<vmem>>
      %dma_wait3A_326 = tpu.memref_squeeze %dma_wait3A_325 : memref<1x128xi32, #tpu.memory_space<vmem>> -> memref<128xi32, #tpu.memory_space<vmem>>
      %dma_wait3A_327 = arith.constant 0 : i32
      %dma_wait3A_328 = arith.constant 0 : i32
      %dma_wait3A_329 = tpu.memref_slice %arg2[%dma_wait3A_327, %dma_wait3A_328] : memref<1015808x16xf32, #tpu.memory_space<hbm>> -> memref<1015808x16xf32, #tpu.memory_space<hbm>>
      tpu.wait_indirect_dma semaphore(%arg7 : memref<!tpu.dma_semaphore, #tpu.memory_space<semaphore_mem>>) src(%dma_wait3A_329 : memref<1015808x16xf32, #tpu.memory_space<hbm>>) dst(%dma_wait3A_323 : memref<128x16xf32, #tpu.memory_space<vmem>>)
      %dma_wait3A_330 = arith.constant 896 : i32
      %dma_wait3A_331 = arith.constant 0 : i32
      %dma_wait3A_332 = tpu.memref_slice %arg6[%dma_wait3A_330, %dma_wait3A_331] : memref<2560x16xf32, #tpu.memory_space<vmem>> -> memref<128x16xf32, #tpu.memory_space<vmem>>
      %dma_wait3A_333 = arith.constant 0 : i32
      %dma_wait3A_334 = tpu.memref_slice %arg5[%add3A_102, %dma_wait3A_333] : memref<200x128xi32, #tpu.memory_space<vmem>> -> memref<1x128xi32, #tpu.memory_space<vmem>>
      %dma_wait3A_335 = tpu.memref_squeeze %dma_wait3A_334 : memref<1x128xi32, #tpu.memory_space<vmem>> -> memref<128xi32, #tpu.memory_space<vmem>>
      %dma_wait3A_336 = arith.constant 0 : i32
      %dma_wait3A_337 = arith.constant 0 : i32
      %dma_wait3A_338 = tpu.memref_slice %arg2[%dma_wait3A_336, %dma_wait3A_337] : memref<1015808x16xf32, #tpu.memory_space<hbm>> -> memref<1015808x16xf32, #tpu.memory_space<hbm>>
      tpu.wait_indirect_dma semaphore(%arg7 : memref<!tpu.dma_semaphore, #tpu.memory_space<semaphore_mem>>) src(%dma_wait3A_338 : memref<1015808x16xf32, #tpu.memory_space<hbm>>) dst(%dma_wait3A_332 : memref<128x16xf32, #tpu.memory_space<vmem>>)
      %dma_wait3A_339 = arith.constant 1024 : i32
      %dma_wait3A_340 = arith.constant 0 : i32
      %dma_wait3A_341 = tpu.memref_slice %arg6[%dma_wait3A_339, %dma_wait3A_340] : memref<2560x16xf32, #tpu.memory_space<vmem>> -> memref<128x16xf32, #tpu.memory_space<vmem>>
      %dma_wait3A_342 = arith.constant 0 : i32
      %dma_wait3A_343 = tpu.memref_slice %arg5[%add3A_115, %dma_wait3A_342] : memref<200x128xi32, #tpu.memory_space<vmem>> -> memref<1x128xi32, #tpu.memory_space<vmem>>
      %dma_wait3A_344 = tpu.memref_squeeze %dma_wait3A_343 : memref<1x128xi32, #tpu.memory_space<vmem>> -> memref<128xi32, #tpu.memory_space<vmem>>
      %dma_wait3A_345 = arith.constant 0 : i32
      %dma_wait3A_346 = arith.constant 0 : i32
      %dma_wait3A_347 = tpu.memref_slice %arg2[%dma_wait3A_345, %dma_wait3A_346] : memref<1015808x16xf32, #tpu.memory_space<hbm>> -> memref<1015808x16xf32, #tpu.memory_space<hbm>>
      tpu.wait_indirect_dma semaphore(%arg7 : memref<!tpu.dma_semaphore, #tpu.memory_space<semaphore_mem>>) src(%dma_wait3A_347 : memref<1015808x16xf32, #tpu.memory_space<hbm>>) dst(%dma_wait3A_341 : memref<128x16xf32, #tpu.memory_space<vmem>>)
      %dma_wait3A_348 = arith.constant 1152 : i32
      %dma_wait3A_349 = arith.constant 0 : i32
      %dma_wait3A_350 = tpu.memref_slice %arg6[%dma_wait3A_348, %dma_wait3A_349] : memref<2560x16xf32, #tpu.memory_space<vmem>> -> memref<128x16xf32, #tpu.memory_space<vmem>>
      %dma_wait3A_351 = arith.constant 0 : i32
      %dma_wait3A_352 = tpu.memref_slice %arg5[%add3A_128, %dma_wait3A_351] : memref<200x128xi32, #tpu.memory_space<vmem>> -> memref<1x128xi32, #tpu.memory_space<vmem>>
      %dma_wait3A_353 = tpu.memref_squeeze %dma_wait3A_352 : memref<1x128xi32, #tpu.memory_space<vmem>> -> memref<128xi32, #tpu.memory_space<vmem>>
      %dma_wait3A_354 = arith.constant 0 : i32
      %dma_wait3A_355 = arith.constant 0 : i32
      %dma_wait3A_356 = tpu.memref_slice %arg2[%dma_wait3A_354, %dma_wait3A_355] : memref<1015808x16xf32, #tpu.memory_space<hbm>> -> memref<1015808x16xf32, #tpu.memory_space<hbm>>
      tpu.wait_indirect_dma semaphore(%arg7 : memref<!tpu.dma_semaphore, #tpu.memory_space<semaphore_mem>>) src(%dma_wait3A_356 : memref<1015808x16xf32, #tpu.memory_space<hbm>>) dst(%dma_wait3A_350 : memref<128x16xf32, #tpu.memory_space<vmem>>)
      %dma_wait3A_357 = arith.constant 1280 : i32
      %dma_wait3A_358 = arith.constant 0 : i32
      %dma_wait3A_359 = tpu.memref_slice %arg6[%dma_wait3A_357, %dma_wait3A_358] : memref<2560x16xf32, #tpu.memory_space<vmem>> -> memref<128x16xf32, #tpu.memory_space<vmem>>
      %dma_wait3A_360 = arith.constant 0 : i32
      %dma_wait3A_361 = tpu.memref_slice %arg5[%add3A_141, %dma_wait3A_360] : memref<200x128xi32, #tpu.memory_space<vmem>> -> memref<1x128xi32, #tpu.memory_space<vmem>>
      %dma_wait3A_362 = tpu.memref_squeeze %dma_wait3A_361 : memref<1x128xi32, #tpu.memory_space<vmem>> -> memref<128xi32, #tpu.memory_space<vmem>>
      %dma_wait3A_363 = arith.constant 0 : i32
      %dma_wait3A_364 = arith.constant 0 : i32
      %dma_wait3A_365 = tpu.memref_slice %arg2[%dma_wait3A_363, %dma_wait3A_364] : memref<1015808x16xf32, #tpu.memory_space<hbm>> -> memref<1015808x16xf32, #tpu.memory_space<hbm>>
      tpu.wait_indirect_dma semaphore(%arg7 : memref<!tpu.dma_semaphore, #tpu.memory_space<semaphore_mem>>) src(%dma_wait3A_365 : memref<1015808x16xf32, #tpu.memory_space<hbm>>) dst(%dma_wait3A_359 : memref<128x16xf32, #tpu.memory_space<vmem>>)
      %dma_wait3A_366 = arith.constant 1408 : i32
      %dma_wait3A_367 = arith.constant 0 : i32
      %dma_wait3A_368 = tpu.memref_slice %arg6[%dma_wait3A_366, %dma_wait3A_367] : memref<2560x16xf32, #tpu.memory_space<vmem>> -> memref<128x16xf32, #tpu.memory_space<vmem>>
      %dma_wait3A_369 = arith.constant 0 : i32
      %dma_wait3A_370 = tpu.memref_slice %arg5[%add3A_154, %dma_wait3A_369] : memref<200x128xi32, #tpu.memory_space<vmem>> -> memref<1x128xi32, #tpu.memory_space<vmem>>
      %dma_wait3A_371 = tpu.memref_squeeze %dma_wait3A_370 : memref<1x128xi32, #tpu.memory_space<vmem>> -> memref<128xi32, #tpu.memory_space<vmem>>
      %dma_wait3A_372 = arith.constant 0 : i32
      %dma_wait3A_373 = arith.constant 0 : i32
      %dma_wait3A_374 = tpu.memref_slice %arg2[%dma_wait3A_372, %dma_wait3A_373] : memref<1015808x16xf32, #tpu.memory_space<hbm>> -> memref<1015808x16xf32, #tpu.memory_space<hbm>>
      tpu.wait_indirect_dma semaphore(%arg7 : memref<!tpu.dma_semaphore, #tpu.memory_space<semaphore_mem>>) src(%dma_wait3A_374 : memref<1015808x16xf32, #tpu.memory_space<hbm>>) dst(%dma_wait3A_368 : memref<128x16xf32, #tpu.memory_space<vmem>>)
      %dma_wait3A_375 = arith.constant 1536 : i32
      %dma_wait3A_376 = arith.constant 0 : i32
      %dma_wait3A_377 = tpu.memref_slice %arg6[%dma_wait3A_375, %dma_wait3A_376] : memref<2560x16xf32, #tpu.memory_space<vmem>> -> memref<128x16xf32, #tpu.memory_space<vmem>>
      %dma_wait3A_378 = arith.constant 0 : i32
      %dma_wait3A_379 = tpu.memref_slice %arg5[%add3A_167, %dma_wait3A_378] : memref<200x128xi32, #tpu.memory_space<vmem>> -> memref<1x128xi32, #tpu.memory_space<vmem>>
      %dma_wait3A_380 = tpu.memref_squeeze %dma_wait3A_379 : memref<1x128xi32, #tpu.memory_space<vmem>> -> memref<128xi32, #tpu.memory_space<vmem>>
      %dma_wait3A_381 = arith.constant 0 : i32
      %dma_wait3A_382 = arith.constant 0 : i32
      %dma_wait3A_383 = tpu.memref_slice %arg2[%dma_wait3A_381, %dma_wait3A_382] : memref<1015808x16xf32, #tpu.memory_space<hbm>> -> memref<1015808x16xf32, #tpu.memory_space<hbm>>
      tpu.wait_indirect_dma semaphore(%arg7 : memref<!tpu.dma_semaphore, #tpu.memory_space<semaphore_mem>>) src(%dma_wait3A_383 : memref<1015808x16xf32, #tpu.memory_space<hbm>>) dst(%dma_wait3A_377 : memref<128x16xf32, #tpu.memory_space<vmem>>)
      %dma_wait3A_384 = arith.constant 1664 : i32
      %dma_wait3A_385 = arith.constant 0 : i32
      %dma_wait3A_386 = tpu.memref_slice %arg6[%dma_wait3A_384, %dma_wait3A_385] : memref<2560x16xf32, #tpu.memory_space<vmem>> -> memref<128x16xf32, #tpu.memory_space<vmem>>
      %dma_wait3A_387 = arith.constant 0 : i32
      %dma_wait3A_388 = tpu.memref_slice %arg5[%add3A_180, %dma_wait3A_387] : memref<200x128xi32, #tpu.memory_space<vmem>> -> memref<1x128xi32, #tpu.memory_space<vmem>>
      %dma_wait3A_389 = tpu.memref_squeeze %dma_wait3A_388 : memref<1x128xi32, #tpu.memory_space<vmem>> -> memref<128xi32, #tpu.memory_space<vmem>>
      %dma_wait3A_390 = arith.constant 0 : i32
      %dma_wait3A_391 = arith.constant 0 : i32
      %dma_wait3A_392 = tpu.memref_slice %arg2[%dma_wait3A_390, %dma_wait3A_391] : memref<1015808x16xf32, #tpu.memory_space<hbm>> -> memref<1015808x16xf32, #tpu.memory_space<hbm>>
      tpu.wait_indirect_dma semaphore(%arg7 : memref<!tpu.dma_semaphore, #tpu.memory_space<semaphore_mem>>) src(%dma_wait3A_392 : memref<1015808x16xf32, #tpu.memory_space<hbm>>) dst(%dma_wait3A_386 : memref<128x16xf32, #tpu.memory_space<vmem>>)
      %dma_wait3A_393 = arith.constant 1792 : i32
      %dma_wait3A_394 = arith.constant 0 : i32
      %dma_wait3A_395 = tpu.memref_slice %arg6[%dma_wait3A_393, %dma_wait3A_394] : memref<2560x16xf32, #tpu.memory_space<vmem>> -> memref<128x16xf32, #tpu.memory_space<vmem>>
      %dma_wait3A_396 = arith.constant 0 : i32
      %dma_wait3A_397 = tpu.memref_slice %arg5[%add3A_193, %dma_wait3A_396] : memref<200x128xi32, #tpu.memory_space<vmem>> -> memref<1x128xi32, #tpu.memory_space<vmem>>
      %dma_wait3A_398 = tpu.memref_squeeze %dma_wait3A_397 : memref<1x128xi32, #tpu.memory_space<vmem>> -> memref<128xi32, #tpu.memory_space<vmem>>
      %dma_wait3A_399 = arith.constant 0 : i32
      %dma_wait3A_400 = arith.constant 0 : i32
      %dma_wait3A_401 = tpu.memref_slice %arg2[%dma_wait3A_399, %dma_wait3A_400] : memref<1015808x16xf32, #tpu.memory_space<hbm>> -> memref<1015808x16xf32, #tpu.memory_space<hbm>>
      tpu.wait_indirect_dma semaphore(%arg7 : memref<!tpu.dma_semaphore, #tpu.memory_space<semaphore_mem>>) src(%dma_wait3A_401 : memref<1015808x16xf32, #tpu.memory_space<hbm>>) dst(%dma_wait3A_395 : memref<128x16xf32, #tpu.memory_space<vmem>>)
      %dma_wait3A_402 = arith.constant 1920 : i32
      %dma_wait3A_403 = arith.constant 0 : i32
      %dma_wait3A_404 = tpu.memref_slice %arg6[%dma_wait3A_402, %dma_wait3A_403] : memref<2560x16xf32, #tpu.memory_space<vmem>> -> memref<128x16xf32, #tpu.memory_space<vmem>>
      %dma_wait3A_405 = arith.constant 0 : i32
      %dma_wait3A_406 = tpu.memref_slice %arg5[%add3A_206, %dma_wait3A_405] : memref<200x128xi32, #tpu.memory_space<vmem>> -> memref<1x128xi32, #tpu.memory_space<vmem>>
      %dma_wait3A_407 = tpu.memref_squeeze %dma_wait3A_406 : memref<1x128xi32, #tpu.memory_space<vmem>> -> memref<128xi32, #tpu.memory_space<vmem>>
      %dma_wait3A_408 = arith.constant 0 : i32
      %dma_wait3A_409 = arith.constant 0 : i32
      %dma_wait3A_410 = tpu.memref_slice %arg2[%dma_wait3A_408, %dma_wait3A_409] : memref<1015808x16xf32, #tpu.memory_space<hbm>> -> memref<1015808x16xf32, #tpu.memory_space<hbm>>
      tpu.wait_indirect_dma semaphore(%arg7 : memref<!tpu.dma_semaphore, #tpu.memory_space<semaphore_mem>>) src(%dma_wait3A_410 : memref<1015808x16xf32, #tpu.memory_space<hbm>>) dst(%dma_wait3A_404 : memref<128x16xf32, #tpu.memory_space<vmem>>)
      %dma_wait3A_411 = arith.constant 2048 : i32
      %dma_wait3A_412 = arith.constant 0 : i32
      %dma_wait3A_413 = tpu.memref_slice %arg6[%dma_wait3A_411, %dma_wait3A_412] : memref<2560x16xf32, #tpu.memory_space<vmem>> -> memref<128x16xf32, #tpu.memory_space<vmem>>
      %dma_wait3A_414 = arith.constant 0 : i32
      %dma_wait3A_415 = tpu.memref_slice %arg5[%add3A_219, %dma_wait3A_414] : memref<200x128xi32, #tpu.memory_space<vmem>> -> memref<1x128xi32, #tpu.memory_space<vmem>>
      %dma_wait3A_416 = tpu.memref_squeeze %dma_wait3A_415 : memref<1x128xi32, #tpu.memory_space<vmem>> -> memref<128xi32, #tpu.memory_space<vmem>>
      %dma_wait3A_417 = arith.constant 0 : i32
      %dma_wait3A_418 = arith.constant 0 : i32
      %dma_wait3A_419 = tpu.memref_slice %arg2[%dma_wait3A_417, %dma_wait3A_418] : memref<1015808x16xf32, #tpu.memory_space<hbm>> -> memref<1015808x16xf32, #tpu.memory_space<hbm>>
      tpu.wait_indirect_dma semaphore(%arg7 : memref<!tpu.dma_semaphore, #tpu.memory_space<semaphore_mem>>) src(%dma_wait3A_419 : memref<1015808x16xf32, #tpu.memory_space<hbm>>) dst(%dma_wait3A_413 : memref<128x16xf32, #tpu.memory_space<vmem>>)
      %dma_wait3A_420 = arith.constant 2176 : i32
      %dma_wait3A_421 = arith.constant 0 : i32
      %dma_wait3A_422 = tpu.memref_slice %arg6[%dma_wait3A_420, %dma_wait3A_421] : memref<2560x16xf32, #tpu.memory_space<vmem>> -> memref<128x16xf32, #tpu.memory_space<vmem>>
      %dma_wait3A_423 = arith.constant 0 : i32
      %dma_wait3A_424 = tpu.memref_slice %arg5[%add3A_232, %dma_wait3A_423] : memref<200x128xi32, #tpu.memory_space<vmem>> -> memref<1x128xi32, #tpu.memory_space<vmem>>
      %dma_wait3A_425 = tpu.memref_squeeze %dma_wait3A_424 : memref<1x128xi32, #tpu.memory_space<vmem>> -> memref<128xi32, #tpu.memory_space<vmem>>
      %dma_wait3A_426 = arith.constant 0 : i32
      %dma_wait3A_427 = arith.constant 0 : i32
      %dma_wait3A_428 = tpu.memref_slice %arg2[%dma_wait3A_426, %dma_wait3A_427] : memref<1015808x16xf32, #tpu.memory_space<hbm>> -> memref<1015808x16xf32, #tpu.memory_space<hbm>>
      tpu.wait_indirect_dma semaphore(%arg7 : memref<!tpu.dma_semaphore, #tpu.memory_space<semaphore_mem>>) src(%dma_wait3A_428 : memref<1015808x16xf32, #tpu.memory_space<hbm>>) dst(%dma_wait3A_422 : memref<128x16xf32, #tpu.memory_space<vmem>>)
      %dma_wait3A_429 = arith.constant 2304 : i32
      %dma_wait3A_430 = arith.constant 0 : i32
      %dma_wait3A_431 = tpu.memref_slice %arg6[%dma_wait3A_429, %dma_wait3A_430] : memref<2560x16xf32, #tpu.memory_space<vmem>> -> memref<128x16xf32, #tpu.memory_space<vmem>>
      %dma_wait3A_432 = arith.constant 0 : i32
      %dma_wait3A_433 = tpu.memref_slice %arg5[%add3A_245, %dma_wait3A_432] : memref<200x128xi32, #tpu.memory_space<vmem>> -> memref<1x128xi32, #tpu.memory_space<vmem>>
      %dma_wait3A_434 = tpu.memref_squeeze %dma_wait3A_433 : memref<1x128xi32, #tpu.memory_space<vmem>> -> memref<128xi32, #tpu.memory_space<vmem>>
      %dma_wait3A_435 = arith.constant 0 : i32
      %dma_wait3A_436 = arith.constant 0 : i32
      %dma_wait3A_437 = tpu.memref_slice %arg2[%dma_wait3A_435, %dma_wait3A_436] : memref<1015808x16xf32, #tpu.memory_space<hbm>> -> memref<1015808x16xf32, #tpu.memory_space<hbm>>
      tpu.wait_indirect_dma semaphore(%arg7 : memref<!tpu.dma_semaphore, #tpu.memory_space<semaphore_mem>>) src(%dma_wait3A_437 : memref<1015808x16xf32, #tpu.memory_space<hbm>>) dst(%dma_wait3A_431 : memref<128x16xf32, #tpu.memory_space<vmem>>)
      %dma_wait3A_438 = arith.constant 2432 : i32
      %dma_wait3A_439 = arith.constant 0 : i32
      %dma_wait3A_440 = tpu.memref_slice %arg6[%dma_wait3A_438, %dma_wait3A_439] : memref<2560x16xf32, #tpu.memory_space<vmem>> -> memref<128x16xf32, #tpu.memory_space<vmem>>
      %dma_wait3A_441 = arith.constant 0 : i32
      %dma_wait3A_442 = tpu.memref_slice %arg5[%add3A_258, %dma_wait3A_441] : memref<200x128xi32, #tpu.memory_space<vmem>> -> memref<1x128xi32, #tpu.memory_space<vmem>>
      %dma_wait3A_443 = tpu.memref_squeeze %dma_wait3A_442 : memref<1x128xi32, #tpu.memory_space<vmem>> -> memref<128xi32, #tpu.memory_space<vmem>>
      %dma_wait3A_444 = arith.constant 0 : i32
      %dma_wait3A_445 = arith.constant 0 : i32
      %dma_wait3A_446 = tpu.memref_slice %arg2[%dma_wait3A_444, %dma_wait3A_445] : memref<1015808x16xf32, #tpu.memory_space<hbm>> -> memref<1015808x16xf32, #tpu.memory_space<hbm>>
      tpu.wait_indirect_dma semaphore(%arg7 : memref<!tpu.dma_semaphore, #tpu.memory_space<semaphore_mem>>) src(%dma_wait3A_446 : memref<1015808x16xf32, #tpu.memory_space<hbm>>) dst(%dma_wait3A_440 : memref<128x16xf32, #tpu.memory_space<vmem>>)
      %mul3A_447 = arith.constant 25600 : i32
      %mul3A_448 = arith.muli %add3A, %mul3A_447 : i32
      %mul3A_449 = arith.constant 2560 : i32
      %mul3A_450 = arith.muli %scan3A_8, %mul3A_449 : i32
      %add3A_451 = arith.addi %mul3A_448, %mul3A_450 : i32
      "tpu.region"() ({
        %run_scoped3A = tpu.sem_alloc : memref<!tpu.dma_semaphore, #tpu.memory_space<semaphore_mem>>
        %dma_start3A_452 = arith.constant 0 : i32
        %dma_start3A_453 = tpu.memref_slice %arg4[%add3A_451, %dma_start3A_452] : memref<819200x16xf32, #tpu.memory_space<hbm>> -> memref<2560x16xf32, #tpu.memory_space<hbm>>
        %dma_start3A_454 = arith.constant 0 : i32
        %dma_start3A_455 = tpu.memref_slice %arg4[%add3A_451, %dma_start3A_454] : memref<819200x16xf32, #tpu.memory_space<hbm>> -> memref<2560x16xf32, #tpu.memory_space<hbm>>
        tpu.enqueue_dma source(%arg6 : memref<2560x16xf32, #tpu.memory_space<vmem>>) target(%dma_start3A_455 : memref<2560x16xf32, #tpu.memory_space<hbm>>) target_semaphore(%run_scoped3A : memref<!tpu.dma_semaphore, #tpu.memory_space<semaphore_mem>>)
        %dma_wait3A_456 = arith.constant 0 : i32
        %dma_wait3A_457 = tpu.memref_slice %arg4[%add3A_451, %dma_wait3A_456] : memref<819200x16xf32, #tpu.memory_space<hbm>> -> memref<2560x16xf32, #tpu.memory_space<hbm>>
        %dma_wait3A_458 = arith.constant 0 : i32
        %dma_wait3A_459 = tpu.memref_slice %arg4[%add3A_451, %dma_wait3A_458] : memref<819200x16xf32, #tpu.memory_space<hbm>> -> memref<2560x16xf32, #tpu.memory_space<hbm>>
        tpu.wait_dma2 semaphore(%run_scoped3A : memref<!tpu.dma_semaphore, #tpu.memory_space<semaphore_mem>>) src(%arg6 : memref<2560x16xf32, #tpu.memory_space<vmem>>) dst(%dma_wait3A_459 : memref<2560x16xf32, #tpu.memory_space<hbm>>)
        tpu.yield
      }) : () -> ()
    }
    %scan3A_7 = arith.constant 10 : i32
    return
  }
}

#map = affine_map<(d0, d1) -> (0, 0)>
module attributes {stable_mosaic.version = 14 : i64} {
  func.func @_sc_user_body(%arg0: i32, %arg1: i32, %arg2: memref<1015808x16xf32, #tpu.memory_space<hbm>>, %arg3: memref<128x128xi32, #tpu.memory_space<hbm>>, %arg4: memref<16384x16xf32, #tpu.memory_space<hbm>>, %arg5: memref<4x128xi32, #tpu.memory_space<vmem>>, %arg6: memref<512x16xf32, #tpu.memory_space<vmem>>, %arg7: memref<!tpu.dma_semaphore, #tpu.memory_space<semaphore_mem>>) attributes {dimension_semantics = [#tpu.dimension_semantics<core_parallel>, #tpu.dimension_semantics<subcore_parallel>], iteration_bounds = array<i64: 2, 16>, scalar_prefetch = 0 : i64, scratch_operands = 3 : i64, tpu.core_type = #tpu.core_type<sc_vector_subcore>, window_params = [{transform_indices = #map}, {transform_indices = #map}, {transform_indices = #map}]} {
    %mul3A = arith.constant 2 : i32
    %mul3A_0 = arith.muli %arg1, %mul3A : i32
    %add3A = arith.addi %mul3A_0, %arg0 : i32
    %mul3A_1 = arith.constant 4 : i32
    %mul3A_2 = arith.muli %add3A, %mul3A_1 : i32
    "tpu.region"() ({
      %run_scoped3A = tpu.sem_alloc : memref<!tpu.dma_semaphore, #tpu.memory_space<semaphore_mem>>
      %dma_start3A_83 = arith.constant 0 : i32
      %dma_start3A_84 = tpu.memref_slice %arg3[%mul3A_2, %dma_start3A_83] : memref<128x128xi32, #tpu.memory_space<hbm>> -> memref<4x128xi32, #tpu.memory_space<hbm>>
      %dma_start3A_85 = arith.constant 0 : i32
      %dma_start3A_86 = tpu.memref_slice %arg3[%mul3A_2, %dma_start3A_85] : memref<128x128xi32, #tpu.memory_space<hbm>> -> memref<4x128xi32, #tpu.memory_space<hbm>>
      tpu.enqueue_dma source(%dma_start3A_86 : memref<4x128xi32, #tpu.memory_space<hbm>>) target(%arg5 : memref<4x128xi32, #tpu.memory_space<vmem>>) target_semaphore(%run_scoped3A : memref<!tpu.dma_semaphore, #tpu.memory_space<semaphore_mem>>)
      %dma_wait3A_87 = arith.constant 0 : i32
      %dma_wait3A_88 = tpu.memref_slice %arg3[%mul3A_2, %dma_wait3A_87] : memref<128x128xi32, #tpu.memory_space<hbm>> -> memref<4x128xi32, #tpu.memory_space<hbm>>
      %dma_wait3A_89 = arith.constant 0 : i32
      %dma_wait3A_90 = tpu.memref_slice %arg3[%mul3A_2, %dma_wait3A_89] : memref<128x128xi32, #tpu.memory_space<hbm>> -> memref<4x128xi32, #tpu.memory_space<hbm>>
      tpu.wait_dma2 semaphore(%run_scoped3A : memref<!tpu.dma_semaphore, #tpu.memory_space<semaphore_mem>>) src(%dma_wait3A_90 : memref<4x128xi32, #tpu.memory_space<hbm>>) dst(%arg5 : memref<4x128xi32, #tpu.memory_space<vmem>>)
      tpu.yield
    }) : () -> ()
    %dma_start3A = arith.constant 0 : i32
    %dma_start3A_3 = arith.constant 0 : i32
    %dma_start3A_4 = arith.constant 0 : i32
    %dma_start3A_5 = tpu.memref_slice %arg6[%dma_start3A_3, %dma_start3A_4] : memref<512x16xf32, #tpu.memory_space<vmem>> -> memref<128x16xf32, #tpu.memory_space<vmem>>
    %dma_start3A_6 = arith.constant 0 : i32
    %dma_start3A_7 = tpu.memref_slice %arg5[%dma_start3A, %dma_start3A_6] : memref<4x128xi32, #tpu.memory_space<vmem>> -> memref<1x128xi32, #tpu.memory_space<vmem>>
    %dma_start3A_8 = tpu.memref_squeeze %dma_start3A_7 : memref<1x128xi32, #tpu.memory_space<vmem>> -> memref<128xi32, #tpu.memory_space<vmem>>
    %dma_start3A_9 = arith.constant 0 : i32
    %dma_start3A_10 = arith.constant 0 : i32
    %dma_start3A_11 = tpu.memref_slice %arg2[%dma_start3A_9, %dma_start3A_10] : memref<1015808x16xf32, #tpu.memory_space<hbm>> -> memref<1015808x16xf32, #tpu.memory_space<hbm>>
    tpu.enqueue_indirect_dma source(%dma_start3A_11 : memref<1015808x16xf32, #tpu.memory_space<hbm>>) target(%dma_start3A_5 : memref<128x16xf32, #tpu.memory_space<vmem>>) offsets(%dma_start3A_8 : memref<128xi32, #tpu.memory_space<vmem>>) semaphore(%arg7 : memref<!tpu.dma_semaphore, #tpu.memory_space<semaphore_mem>>)
    %dma_start3A_12 = arith.constant 1 : i32
    %dma_start3A_13 = arith.constant 128 : i32
    %dma_start3A_14 = arith.constant 0 : i32
    %dma_start3A_15 = tpu.memref_slice %arg6[%dma_start3A_13, %dma_start3A_14] : memref<512x16xf32, #tpu.memory_space<vmem>> -> memref<128x16xf32, #tpu.memory_space<vmem>>
    %dma_start3A_16 = arith.constant 0 : i32
    %dma_start3A_17 = tpu.memref_slice %arg5[%dma_start3A_12, %dma_start3A_16] : memref<4x128xi32, #tpu.memory_space<vmem>> -> memref<1x128xi32, #tpu.memory_space<vmem>>
    %dma_start3A_18 = tpu.memref_squeeze %dma_start3A_17 : memref<1x128xi32, #tpu.memory_space<vmem>> -> memref<128xi32, #tpu.memory_space<vmem>>
    %dma_start3A_19 = arith.constant 0 : i32
    %dma_start3A_20 = arith.constant 0 : i32
    %dma_start3A_21 = tpu.memref_slice %arg2[%dma_start3A_19, %dma_start3A_20] : memref<1015808x16xf32, #tpu.memory_space<hbm>> -> memref<1015808x16xf32, #tpu.memory_space<hbm>>
    tpu.enqueue_indirect_dma source(%dma_start3A_21 : memref<1015808x16xf32, #tpu.memory_space<hbm>>) target(%dma_start3A_15 : memref<128x16xf32, #tpu.memory_space<vmem>>) offsets(%dma_start3A_18 : memref<128xi32, #tpu.memory_space<vmem>>) semaphore(%arg7 : memref<!tpu.dma_semaphore, #tpu.memory_space<semaphore_mem>>)
    %dma_start3A_22 = arith.constant 2 : i32
    %dma_start3A_23 = arith.constant 256 : i32
    %dma_start3A_24 = arith.constant 0 : i32
    %dma_start3A_25 = tpu.memref_slice %arg6[%dma_start3A_23, %dma_start3A_24] : memref<512x16xf32, #tpu.memory_space<vmem>> -> memref<128x16xf32, #tpu.memory_space<vmem>>
    %dma_start3A_26 = arith.constant 0 : i32
    %dma_start3A_27 = tpu.memref_slice %arg5[%dma_start3A_22, %dma_start3A_26] : memref<4x128xi32, #tpu.memory_space<vmem>> -> memref<1x128xi32, #tpu.memory_space<vmem>>
    %dma_start3A_28 = tpu.memref_squeeze %dma_start3A_27 : memref<1x128xi32, #tpu.memory_space<vmem>> -> memref<128xi32, #tpu.memory_space<vmem>>
    %dma_start3A_29 = arith.constant 0 : i32
    %dma_start3A_30 = arith.constant 0 : i32
    %dma_start3A_31 = tpu.memref_slice %arg2[%dma_start3A_29, %dma_start3A_30] : memref<1015808x16xf32, #tpu.memory_space<hbm>> -> memref<1015808x16xf32, #tpu.memory_space<hbm>>
    tpu.enqueue_indirect_dma source(%dma_start3A_31 : memref<1015808x16xf32, #tpu.memory_space<hbm>>) target(%dma_start3A_25 : memref<128x16xf32, #tpu.memory_space<vmem>>) offsets(%dma_start3A_28 : memref<128xi32, #tpu.memory_space<vmem>>) semaphore(%arg7 : memref<!tpu.dma_semaphore, #tpu.memory_space<semaphore_mem>>)
    %dma_start3A_32 = arith.constant 3 : i32
    %dma_start3A_33 = arith.constant 384 : i32
    %dma_start3A_34 = arith.constant 0 : i32
    %dma_start3A_35 = tpu.memref_slice %arg6[%dma_start3A_33, %dma_start3A_34] : memref<512x16xf32, #tpu.memory_space<vmem>> -> memref<128x16xf32, #tpu.memory_space<vmem>>
    %dma_start3A_36 = arith.constant 0 : i32
    %dma_start3A_37 = tpu.memref_slice %arg5[%dma_start3A_32, %dma_start3A_36] : memref<4x128xi32, #tpu.memory_space<vmem>> -> memref<1x128xi32, #tpu.memory_space<vmem>>
    %dma_start3A_38 = tpu.memref_squeeze %dma_start3A_37 : memref<1x128xi32, #tpu.memory_space<vmem>> -> memref<128xi32, #tpu.memory_space<vmem>>
    %dma_start3A_39 = arith.constant 0 : i32
    %dma_start3A_40 = arith.constant 0 : i32
    %dma_start3A_41 = tpu.memref_slice %arg2[%dma_start3A_39, %dma_start3A_40] : memref<1015808x16xf32, #tpu.memory_space<hbm>> -> memref<1015808x16xf32, #tpu.memory_space<hbm>>
    tpu.enqueue_indirect_dma source(%dma_start3A_41 : memref<1015808x16xf32, #tpu.memory_space<hbm>>) target(%dma_start3A_35 : memref<128x16xf32, #tpu.memory_space<vmem>>) offsets(%dma_start3A_38 : memref<128xi32, #tpu.memory_space<vmem>>) semaphore(%arg7 : memref<!tpu.dma_semaphore, #tpu.memory_space<semaphore_mem>>)
    %dma_wait3A = arith.constant 0 : i32
    %dma_wait3A_42 = arith.constant 0 : i32
    %dma_wait3A_43 = arith.constant 0 : i32
    %dma_wait3A_44 = tpu.memref_slice %arg6[%dma_wait3A_42, %dma_wait3A_43] : memref<512x16xf32, #tpu.memory_space<vmem>> -> memref<128x16xf32, #tpu.memory_space<vmem>>
    %dma_wait3A_45 = arith.constant 0 : i32
    %dma_wait3A_46 = tpu.memref_slice %arg5[%dma_wait3A, %dma_wait3A_45] : memref<4x128xi32, #tpu.memory_space<vmem>> -> memref<1x128xi32, #tpu.memory_space<vmem>>
    %dma_wait3A_47 = tpu.memref_squeeze %dma_wait3A_46 : memref<1x128xi32, #tpu.memory_space<vmem>> -> memref<128xi32, #tpu.memory_space<vmem>>
    %dma_wait3A_48 = arith.constant 0 : i32
    %dma_wait3A_49 = arith.constant 0 : i32
    %dma_wait3A_50 = tpu.memref_slice %arg2[%dma_wait3A_48, %dma_wait3A_49] : memref<1015808x16xf32, #tpu.memory_space<hbm>> -> memref<1015808x16xf32, #tpu.memory_space<hbm>>
    tpu.wait_indirect_dma semaphore(%arg7 : memref<!tpu.dma_semaphore, #tpu.memory_space<semaphore_mem>>) src(%dma_wait3A_50 : memref<1015808x16xf32, #tpu.memory_space<hbm>>) dst(%dma_wait3A_44 : memref<128x16xf32, #tpu.memory_space<vmem>>)
    %dma_wait3A_51 = arith.constant 1 : i32
    %dma_wait3A_52 = arith.constant 128 : i32
    %dma_wait3A_53 = arith.constant 0 : i32
    %dma_wait3A_54 = tpu.memref_slice %arg6[%dma_wait3A_52, %dma_wait3A_53] : memref<512x16xf32, #tpu.memory_space<vmem>> -> memref<128x16xf32, #tpu.memory_space<vmem>>
    %dma_wait3A_55 = arith.constant 0 : i32
    %dma_wait3A_56 = tpu.memref_slice %arg5[%dma_wait3A_51, %dma_wait3A_55] : memref<4x128xi32, #tpu.memory_space<vmem>> -> memref<1x128xi32, #tpu.memory_space<vmem>>
    %dma_wait3A_57 = tpu.memref_squeeze %dma_wait3A_56 : memref<1x128xi32, #tpu.memory_space<vmem>> -> memref<128xi32, #tpu.memory_space<vmem>>
    %dma_wait3A_58 = arith.constant 0 : i32
    %dma_wait3A_59 = arith.constant 0 : i32
    %dma_wait3A_60 = tpu.memref_slice %arg2[%dma_wait3A_58, %dma_wait3A_59] : memref<1015808x16xf32, #tpu.memory_space<hbm>> -> memref<1015808x16xf32, #tpu.memory_space<hbm>>
    tpu.wait_indirect_dma semaphore(%arg7 : memref<!tpu.dma_semaphore, #tpu.memory_space<semaphore_mem>>) src(%dma_wait3A_60 : memref<1015808x16xf32, #tpu.memory_space<hbm>>) dst(%dma_wait3A_54 : memref<128x16xf32, #tpu.memory_space<vmem>>)
    %dma_wait3A_61 = arith.constant 2 : i32
    %dma_wait3A_62 = arith.constant 256 : i32
    %dma_wait3A_63 = arith.constant 0 : i32
    %dma_wait3A_64 = tpu.memref_slice %arg6[%dma_wait3A_62, %dma_wait3A_63] : memref<512x16xf32, #tpu.memory_space<vmem>> -> memref<128x16xf32, #tpu.memory_space<vmem>>
    %dma_wait3A_65 = arith.constant 0 : i32
    %dma_wait3A_66 = tpu.memref_slice %arg5[%dma_wait3A_61, %dma_wait3A_65] : memref<4x128xi32, #tpu.memory_space<vmem>> -> memref<1x128xi32, #tpu.memory_space<vmem>>
    %dma_wait3A_67 = tpu.memref_squeeze %dma_wait3A_66 : memref<1x128xi32, #tpu.memory_space<vmem>> -> memref<128xi32, #tpu.memory_space<vmem>>
    %dma_wait3A_68 = arith.constant 0 : i32
    %dma_wait3A_69 = arith.constant 0 : i32
    %dma_wait3A_70 = tpu.memref_slice %arg2[%dma_wait3A_68, %dma_wait3A_69] : memref<1015808x16xf32, #tpu.memory_space<hbm>> -> memref<1015808x16xf32, #tpu.memory_space<hbm>>
    tpu.wait_indirect_dma semaphore(%arg7 : memref<!tpu.dma_semaphore, #tpu.memory_space<semaphore_mem>>) src(%dma_wait3A_70 : memref<1015808x16xf32, #tpu.memory_space<hbm>>) dst(%dma_wait3A_64 : memref<128x16xf32, #tpu.memory_space<vmem>>)
    %dma_wait3A_71 = arith.constant 3 : i32
    %dma_wait3A_72 = arith.constant 384 : i32
    %dma_wait3A_73 = arith.constant 0 : i32
    %dma_wait3A_74 = tpu.memref_slice %arg6[%dma_wait3A_72, %dma_wait3A_73] : memref<512x16xf32, #tpu.memory_space<vmem>> -> memref<128x16xf32, #tpu.memory_space<vmem>>
    %dma_wait3A_75 = arith.constant 0 : i32
    %dma_wait3A_76 = tpu.memref_slice %arg5[%dma_wait3A_71, %dma_wait3A_75] : memref<4x128xi32, #tpu.memory_space<vmem>> -> memref<1x128xi32, #tpu.memory_space<vmem>>
    %dma_wait3A_77 = tpu.memref_squeeze %dma_wait3A_76 : memref<1x128xi32, #tpu.memory_space<vmem>> -> memref<128xi32, #tpu.memory_space<vmem>>
    %dma_wait3A_78 = arith.constant 0 : i32
    %dma_wait3A_79 = arith.constant 0 : i32
    %dma_wait3A_80 = tpu.memref_slice %arg2[%dma_wait3A_78, %dma_wait3A_79] : memref<1015808x16xf32, #tpu.memory_space<hbm>> -> memref<1015808x16xf32, #tpu.memory_space<hbm>>
    tpu.wait_indirect_dma semaphore(%arg7 : memref<!tpu.dma_semaphore, #tpu.memory_space<semaphore_mem>>) src(%dma_wait3A_80 : memref<1015808x16xf32, #tpu.memory_space<hbm>>) dst(%dma_wait3A_74 : memref<128x16xf32, #tpu.memory_space<vmem>>)
    %mul3A_81 = arith.constant 512 : i32
    %mul3A_82 = arith.muli %add3A, %mul3A_81 : i32
    "tpu.region"() ({
      %run_scoped3A = tpu.sem_alloc : memref<!tpu.dma_semaphore, #tpu.memory_space<semaphore_mem>>
      %dma_start3A_83 = arith.constant 0 : i32
      %dma_start3A_84 = tpu.memref_slice %arg4[%mul3A_82, %dma_start3A_83] : memref<16384x16xf32, #tpu.memory_space<hbm>> -> memref<512x16xf32, #tpu.memory_space<hbm>>
      %dma_start3A_85 = arith.constant 0 : i32
      %dma_start3A_86 = tpu.memref_slice %arg4[%mul3A_82, %dma_start3A_85] : memref<16384x16xf32, #tpu.memory_space<hbm>> -> memref<512x16xf32, #tpu.memory_space<hbm>>
      tpu.enqueue_dma source(%arg6 : memref<512x16xf32, #tpu.memory_space<vmem>>) target(%dma_start3A_86 : memref<512x16xf32, #tpu.memory_space<hbm>>) target_semaphore(%run_scoped3A : memref<!tpu.dma_semaphore, #tpu.memory_space<semaphore_mem>>)
      %dma_wait3A_87 = arith.constant 0 : i32
      %dma_wait3A_88 = tpu.memref_slice %arg4[%mul3A_82, %dma_wait3A_87] : memref<16384x16xf32, #tpu.memory_space<hbm>> -> memref<512x16xf32, #tpu.memory_space<hbm>>
      %dma_wait3A_89 = arith.constant 0 : i32
      %dma_wait3A_90 = tpu.memref_slice %arg4[%mul3A_82, %dma_wait3A_89] : memref<16384x16xf32, #tpu.memory_space<hbm>> -> memref<512x16xf32, #tpu.memory_space<hbm>>
      tpu.wait_dma2 semaphore(%run_scoped3A : memref<!tpu.dma_semaphore, #tpu.memory_space<semaphore_mem>>) src(%arg6 : memref<512x16xf32, #tpu.memory_space<vmem>>) dst(%dma_wait3A_90 : memref<512x16xf32, #tpu.memory_space<hbm>>)
      tpu.yield
    }) : () -> ()
    return
  }
}

module attributes {stable_mosaic.version = 14 : i64} {
  func.func @_transpose_body(%arg0: i32, %arg1: memref<16x16384xf32, #tpu.memory_space<vmem>>, %arg2: memref<2048x128xf32, #tpu.memory_space<vmem>>) attributes {dimension_semantics = [#tpu.dimension_semantics<arbitrary>], iteration_bounds = array<i64: 62>, scalar_prefetch = 0 : i64, scratch_operands = 0 : i64, tpu.core_type = #tpu.core_type<tc>, window_params = [{transform_indices = @transform_0, window_bounds = array<i64: 16, 16384>}, {transform_indices = @transform_1, window_bounds = array<i64: 2048, 128>}]} {
    %get3A = arith.constant 0 : index
    %get3A_0 = arith.constant 0 : index
    %get3A_1 = vector.load %arg1[%get3A, %get3A_0] : memref<16x16384xf32, #tpu.memory_space<vmem>>, vector<16x16384xf32>
    %reshape3A = vector.shape_cast %get3A_1 : vector<16x16384xf32> to vector<16x128x128xf32>
    %transpose3A = tpu.transpose %reshape3A, [1, 0, 2] : vector<16x128x128xf32> -> vector<128x16x128xf32>
    %reshape3A_2 = vector.shape_cast %transpose3A : vector<128x16x128xf32> to vector<2048x128xf32>
    %reshape3A_3 = vector.shape_cast %reshape3A_2 : vector<2048x128xf32> to vector<16x128x128xf32>
    %transpose3A_4 = tpu.transpose %reshape3A_3, [0, 2, 1] : vector<16x128x128xf32> -> vector<16x128x128xf32>
    %reshape3A_5 = vector.shape_cast %transpose3A_4 : vector<16x128x128xf32> to vector<2048x128xf32>
    %swap3A = arith.constant 0 : index
    %swap3A_6 = arith.constant 0 : index
    %swap3A_7 = vector.load %arg2[%swap3A, %swap3A_6] : memref<2048x128xf32, #tpu.memory_space<vmem>>, vector<2048x128xf32>
    tpu.vector_store %arg2[%swap3A, %swap3A_6], %reshape3A_5 {strides = array<i32>} : memref<2048x128xf32, #tpu.memory_space<vmem>>, vector<2048x128xf32>,
    return
  }
  func.func @transform_0(%arg0: i32) -> (i32, i32) {
    %c0_i32 = arith.constant 0 : i32
    %c0_i32_0 = arith.constant 0 : i32
    return %c0_i32, %arg0 : i32, i32
  }
  func.func @transform_1(%arg0: i32) -> (i32, i32) {
    %c0_i32 = arith.constant 0 : i32
    %c0_i32_0 = arith.constant 0 : i32
    return %arg0, %c0_i32 : i32, i32
  }
}

module attributes {stable_mosaic.version = 14 : i64} {
  func.func @_fused_body(%arg0: i32, %arg1: memref<2048x128xf32, #tpu.memory_space<vmem>>, %arg2: memref<2048x128xf32, #tpu.memory_space<vmem>>, %arg3: memref<16x16xf32, #tpu.memory_space<vmem>>, %arg4: memref<1x16xf32, #tpu.memory_space<vmem>>, %arg5: memref<16x16xf32, #tpu.memory_space<vmem>>, %arg6: memref<1x16xf32, #tpu.memory_space<vmem>>, %arg7: memref<2048x8xi32, #tpu.memory_space<vmem>>, %arg8: memref<2048x8xf32, #tpu.memory_space<vmem>>, %arg9: memref<1x1xf32, #tpu.memory_space<vmem>>, %arg10: memref<1x1xf32, #tpu.memory_space<vmem>>, %arg11: memref<2048x128xf32, #tpu.memory_space<vmem>>, %arg12: memref<2048x8xf32, #tpu.memory_space<vmem>>, %arg13: memref<2048x8xf32, #tpu.memory_space<vmem>>, %arg14: memref<128x128xf32, #tpu.memory_space<vmem>>, %arg15: memref<128x8xf32, #tpu.memory_space<vmem>>) attributes {dimension_semantics = [#tpu.dimension_semantics<arbitrary>], iteration_bounds = array<i64: 50>, scalar_prefetch = 0 : i64, scratch_operands = 5 : i64, tpu.core_type = #tpu.core_type<tc>, window_params = [{transform_indices = @transform_0, window_bounds = array<i64: 2048, 128>}, {pipeline_mode = #tpu.pipeline_mode<synchronous>, transform_indices = @transform_1, window_bounds = array<i64: 2048, 128>}, {pipeline_mode = #tpu.pipeline_mode<synchronous>, transform_indices = @transform_2, window_bounds = array<i64: 16, 16>}, {pipeline_mode = #tpu.pipeline_mode<synchronous>, transform_indices = @transform_3, window_bounds = array<i64: 1, 16>}, {pipeline_mode = #tpu.pipeline_mode<synchronous>, transform_indices = @transform_4, window_bounds = array<i64: 16, 16>}, {pipeline_mode = #tpu.pipeline_mode<synchronous>, transform_indices = @transform_5, window_bounds = array<i64: 1, 16>}, {pipeline_mode = #tpu.pipeline_mode<synchronous>, transform_indices = @transform_6, window_bounds = array<i64: 2048, 8>}, {pipeline_mode = #tpu.pipeline_mode<synchronous>, transform_indices = @transform_7, window_bounds = array<i64: 2048, 8>}, {pipeline_mode = #tpu.pipeline_mode<synchronous>, transform_indices = @transform_8, window_bounds = array<i64: 1, 1>}, {pipeline_mode = #tpu.pipeline_mode<synchronous>, transform_indices = @transform_9, window_bounds = array<i64: 1, 1>}]} {
    %eq3A = arith.constant 0 : i32
    %eq3A_0 = arith.cmpi eq, %arg0, %eq3A : i32
    %convert_element_type3A = arith.extui %eq3A_0 : i1 to i32
    %cond3A = arith.constant 0 : i32
    %cond3A_1 = arith.cmpi ne, %convert_element_type3A, %cond3A : i32
    scf.if %cond3A_1 {
      %iota3A = tpu.iota {dimensions = array<i32: 0>} : vector<128x128xi32>
      %iota3A_60 = tpu.iota {dimensions = array<i32: 1>} : vector<128x128xi32>
      %jit3A_61 = arith.constant 16 : i32
      %div3A = vector.broadcast %jit3A_61 : i32 to vector<128x128xi32>
      %div3A_62 = arith.divsi %iota3A, %div3A : vector<128x128xi32>
      %sign3A = arith.constant 0 : i32
      %sign3A_63 = vector.broadcast %sign3A : i32 to vector<128x128xi32>
      %sign3A_64 = arith.cmpi sgt, %iota3A, %sign3A_63 : vector<128x128xi32>
      %sign3A_65 = arith.extui %sign3A_64 : vector<128x128xi1> to vector<128x128xi32>
      %sign3A_66 = arith.constant 0 : i32
      %sign3A_67 = vector.broadcast %sign3A_66 : i32 to vector<128x128xi32>
      %sign3A_68 = arith.cmpi slt, %iota3A, %sign3A_67 : vector<128x128xi32>
      %sign3A_69 = arith.extui %sign3A_68 : vector<128x128xi1> to vector<128x128xi32>
      %sign3A_70 = arith.subi %sign3A_65, %sign3A_69 : vector<128x128xi32>
      %sign3A_71 = arith.constant 0 : i32
      %sign3A_72 = arith.cmpi sgt, %jit3A_61, %sign3A_71 : i32
      %sign3A_73 = arith.extui %sign3A_72 : i1 to i32
      %sign3A_74 = arith.constant 0 : i32
      %sign3A_75 = arith.cmpi slt, %jit3A_61, %sign3A_74 : i32
      %sign3A_76 = arith.extui %sign3A_75 : i1 to i32
      %sign3A_77 = arith.subi %sign3A_73, %sign3A_76 : i32
      %ne3A_78 = vector.broadcast %sign3A_77 : i32 to vector<128x128xi32>
      %ne3A_79 = arith.cmpi ne, %sign3A_70, %ne3A_78 : vector<128x128xi32>
      %rem3A = vector.broadcast %jit3A_61 : i32 to vector<128x128xi32>
      %rem3A_80 = arith.remsi %iota3A, %rem3A : vector<128x128xi32>
      %ne3A_81 = arith.constant 0 : i32
      %ne3A_82 = vector.broadcast %ne3A_81 : i32 to vector<128x128xi32>
      %ne3A_83 = arith.cmpi ne, %rem3A_80, %ne3A_82 : vector<128x128xi32>
      %and3A = arith.andi %ne3A_79, %ne3A_83 : vector<128x128xi1>
      %sub3A_84 = arith.constant 1 : i32
      %sub3A_85 = vector.broadcast %sub3A_84 : i32 to vector<128x128xi32>
      %sub3A_86 = arith.subi %div3A_62, %sub3A_85 : vector<128x128xi32>
      %select_n3A_87 = arith.select %and3A, %sub3A_86, %div3A_62 : vector<128x128xi1>, vector<128x128xi32>
      %jit3A_88 = arith.constant 16 : i32
      %div3A_89 = vector.broadcast %jit3A_88 : i32 to vector<128x128xi32>
      %div3A_90 = arith.divsi %iota3A_60, %div3A_89 : vector<128x128xi32>
      %sign3A_91 = arith.constant 0 : i32
      %sign3A_92 = vector.broadcast %sign3A_91 : i32 to vector<128x128xi32>
      %sign3A_93 = arith.cmpi sgt, %iota3A_60, %sign3A_92 : vector<128x128xi32>
      %sign3A_94 = arith.extui %sign3A_93 : vector<128x128xi1> to vector<128x128xi32>
      %sign3A_95 = arith.constant 0 : i32
      %sign3A_96 = vector.broadcast %sign3A_95 : i32 to vector<128x128xi32>
      %sign3A_97 = arith.cmpi slt, %iota3A_60, %sign3A_96 : vector<128x128xi32>
      %sign3A_98 = arith.extui %sign3A_97 : vector<128x128xi1> to vector<128x128xi32>
      %sign3A_99 = arith.subi %sign3A_94, %sign3A_98 : vector<128x128xi32>
      %sign3A_100 = arith.constant 0 : i32
      %sign3A_101 = arith.cmpi sgt, %jit3A_88, %sign3A_100 : i32
      %sign3A_102 = arith.extui %sign3A_101 : i1 to i32
      %sign3A_103 = arith.constant 0 : i32
      %sign3A_104 = arith.cmpi slt, %jit3A_88, %sign3A_103 : i32
      %sign3A_105 = arith.extui %sign3A_104 : i1 to i32
      %sign3A_106 = arith.subi %sign3A_102, %sign3A_105 : i32
      %ne3A_107 = vector.broadcast %sign3A_106 : i32 to vector<128x128xi32>
      %ne3A_108 = arith.cmpi ne, %sign3A_99, %ne3A_107 : vector<128x128xi32>
      %rem3A_109 = vector.broadcast %jit3A_88 : i32 to vector<128x128xi32>
      %rem3A_110 = arith.remsi %iota3A_60, %rem3A_109 : vector<128x128xi32>
      %ne3A_111 = arith.constant 0 : i32
      %ne3A_112 = vector.broadcast %ne3A_111 : i32 to vector<128x128xi32>
      %ne3A_113 = arith.cmpi ne, %rem3A_110, %ne3A_112 : vector<128x128xi32>
      %and3A_114 = arith.andi %ne3A_108, %ne3A_113 : vector<128x128xi1>
      %sub3A_115 = arith.constant 1 : i32
      %sub3A_116 = vector.broadcast %sub3A_115 : i32 to vector<128x128xi32>
      %sub3A_117 = arith.subi %div3A_90, %sub3A_116 : vector<128x128xi32>
      %select_n3A_118 = arith.select %and3A_114, %sub3A_117, %div3A_90 : vector<128x128xi1>, vector<128x128xi32>
      %eq3A_119 = arith.cmpi eq, %select_n3A_87, %select_n3A_118 : vector<128x128xi32>
      %get3A_120 = arith.constant 0 : index
      %get3A_121 = arith.constant 0 : index
      %get3A_122 = vector.load %arg3[%get3A_120, %get3A_121] : memref<16x16xf32, #tpu.memory_space<vmem>>, vector<16x16xf32>
      %tile3A_123 = tpu.concatenate %get3A_122, %get3A_122, %get3A_122, %get3A_122, %get3A_122, %get3A_122, %get3A_122, %get3A_122 in 0 : vector<16x16xf32>, vector<16x16xf32>, vector<16x16xf32>, vector<16x16xf32>, vector<16x16xf32>, vector<16x16xf32>, vector<16x16xf32>, vector<16x16xf32> -> vector<128x16xf32>
      %tile3A_124 = tpu.concatenate %tile3A_123, %tile3A_123, %tile3A_123, %tile3A_123, %tile3A_123, %tile3A_123, %tile3A_123, %tile3A_123 in 1 : vector<128x16xf32>, vector<128x16xf32>, vector<128x16xf32>, vector<128x16xf32>, vector<128x16xf32>, vector<128x16xf32>, vector<128x16xf32>, vector<128x16xf32> -> vector<128x128xf32>
      %get3A_125 = arith.constant 0 : index
      %get3A_126 = arith.constant 0 : index
      %get3A_127 = vector.load %arg5[%get3A_125, %get3A_126] : memref<16x16xf32, #tpu.memory_space<vmem>>, vector<16x16xf32>
      %tile3A_128 = tpu.concatenate %get3A_127, %get3A_127, %get3A_127, %get3A_127, %get3A_127, %get3A_127, %get3A_127, %get3A_127 in 0 : vector<16x16xf32>, vector<16x16xf32>, vector<16x16xf32>, vector<16x16xf32>, vector<16x16xf32>, vector<16x16xf32>, vector<16x16xf32>, vector<16x16xf32> -> vector<128x16xf32>
      %tile3A_129 = tpu.concatenate %tile3A_128, %tile3A_128, %tile3A_128, %tile3A_128, %tile3A_128, %tile3A_128, %tile3A_128, %tile3A_128 in 1 : vector<128x16xf32>, vector<128x16xf32>, vector<128x16xf32>, vector<128x16xf32>, vector<128x16xf32>, vector<128x16xf32>, vector<128x16xf32>, vector<128x16xf32> -> vector<128x128xf32>
      %jit3A_130 = arith.constant 0.000000e+00 : f32
      %broadcast_in_dim3A_131 = vector.broadcast %jit3A_130 : f32 to vector<128x128xf32>
      %select_n3A_132 = arith.select %eq3A_119, %tile3A_124, %broadcast_in_dim3A_131 : vector<128x128xi1>, vector<128x128xf32>
      %jit3A_133 = arith.constant 0.000000e+00 : f32
      %broadcast_in_dim3A_134 = vector.broadcast %jit3A_133 : f32 to vector<128x128xf32>
      %select_n3A_135 = arith.select %eq3A_119, %tile3A_129, %broadcast_in_dim3A_134 : vector<128x128xi1>, vector<128x128xf32>
      %swap3A_136 = arith.constant 0 : index
      %swap3A_137 = arith.constant 0 : index
      %swap3A_138 = vector.load %arg14[%swap3A_136, %swap3A_137] : memref<128x128xf32, #tpu.memory_space<vmem>>, vector<128x128xf32>
      tpu.vector_store %arg14[%swap3A_136, %swap3A_137], %select_n3A_135 {strides = array<i32>} : memref<128x128xf32, #tpu.memory_space<vmem>>, vector<128x128xf32>,
      %iota3A_139 = tpu.iota {dimensions = array<i32: 0>} : vector<128x8xi32>
      %jit3A_140 = arith.constant 16 : i32
      %div3A_141 = vector.broadcast %jit3A_140 : i32 to vector<128x8xi32>
      %div3A_142 = arith.divsi %iota3A_139, %div3A_141 : vector<128x8xi32>
      %sign3A_143 = arith.constant 0 : i32
      %sign3A_144 = vector.broadcast %sign3A_143 : i32 to vector<128x8xi32>
      %sign3A_145 = arith.cmpi sgt, %iota3A_139, %sign3A_144 : vector<128x8xi32>
      %sign3A_146 = arith.extui %sign3A_145 : vector<128x8xi1> to vector<128x8xi32>
      %sign3A_147 = arith.constant 0 : i32
      %sign3A_148 = vector.broadcast %sign3A_147 : i32 to vector<128x8xi32>
      %sign3A_149 = arith.cmpi slt, %iota3A_139, %sign3A_148 : vector<128x8xi32>
      %sign3A_150 = arith.extui %sign3A_149 : vector<128x8xi1> to vector<128x8xi32>
      %sign3A_151 = arith.subi %sign3A_146, %sign3A_150 : vector<128x8xi32>
      %sign3A_152 = arith.constant 0 : i32
      %sign3A_153 = arith.cmpi sgt, %jit3A_140, %sign3A_152 : i32
      %sign3A_154 = arith.extui %sign3A_153 : i1 to i32
      %sign3A_155 = arith.constant 0 : i32
      %sign3A_156 = arith.cmpi slt, %jit3A_140, %sign3A_155 : i32
      %sign3A_157 = arith.extui %sign3A_156 : i1 to i32
      %sign3A_158 = arith.subi %sign3A_154, %sign3A_157 : i32
      %ne3A_159 = vector.broadcast %sign3A_158 : i32 to vector<128x8xi32>
      %ne3A_160 = arith.cmpi ne, %sign3A_151, %ne3A_159 : vector<128x8xi32>
      %rem3A_161 = vector.broadcast %jit3A_140 : i32 to vector<128x8xi32>
      %rem3A_162 = arith.remsi %iota3A_139, %rem3A_161 : vector<128x8xi32>
      %ne3A_163 = arith.constant 0 : i32
      %ne3A_164 = vector.broadcast %ne3A_163 : i32 to vector<128x8xi32>
      %ne3A_165 = arith.cmpi ne, %rem3A_162, %ne3A_164 : vector<128x8xi32>
      %and3A_166 = arith.andi %ne3A_160, %ne3A_165 : vector<128x8xi1>
      %sub3A_167 = arith.constant 1 : i32
      %sub3A_168 = vector.broadcast %sub3A_167 : i32 to vector<128x8xi32>
      %sub3A_169 = arith.subi %div3A_142, %sub3A_168 : vector<128x8xi32>
      %select_n3A_170 = arith.select %and3A_166, %sub3A_169, %div3A_142 : vector<128x8xi1>, vector<128x8xi32>
      %iota3A_171 = tpu.iota {dimensions = array<i32: 1>} : vector<128x8xi32>
      %eq3A_172 = arith.cmpi eq, %select_n3A_170, %iota3A_171 : vector<128x8xi32>
      %jit3A_173 = arith.constant 1.000000e+00 : f32
      %jit3A_174 = arith.constant 0.000000e+00 : f32
      %broadcast_in_dim3A_175 = vector.broadcast %jit3A_173 : f32 to vector<128x8xf32>
      %broadcast_in_dim3A_176 = vector.broadcast %jit3A_174 : f32 to vector<128x8xf32>
      %select_n3A_177 = arith.select %eq3A_172, %broadcast_in_dim3A_175, %broadcast_in_dim3A_176 : vector<128x8xi1>, vector<128x8xf32>
      %swap3A_178 = arith.constant 0 : index
      %swap3A_179 = arith.constant 0 : index
      %swap3A_180 = vector.load %arg15[%swap3A_178, %swap3A_179] : memref<128x8xf32, #tpu.memory_space<vmem>>, vector<128x8xf32>
      tpu.vector_store %arg15[%swap3A_178, %swap3A_179], %select_n3A_177 {strides = array<i32>} : memref<128x8xf32, #tpu.memory_space<vmem>>, vector<128x8xf32>,
      %get3A_181 = arith.constant 0 : index
      %get3A_182 = arith.constant 0 : index
      %get3A_183 = vector.load %arg4[%get3A_181, %get3A_182] : memref<1x16xf32, #tpu.memory_space<vmem>>, vector<1x16xf32>
      %tile3A_184 = tpu.concatenate %get3A_183, %get3A_183, %get3A_183, %get3A_183, %get3A_183, %get3A_183, %get3A_183, %get3A_183 in 1 : vector<1x16xf32>, vector<1x16xf32>, vector<1x16xf32>, vector<1x16xf32>, vector<1x16xf32>, vector<1x16xf32>, vector<1x16xf32>, vector<1x16xf32> -> vector<1x128xf32>
      %get3A_185 = arith.constant 0 : index
      %get3A_186 = arith.constant 0 : index
      %get3A_187 = vector.load %arg2[%get3A_185, %get3A_186] : memref<2048x128xf32, #tpu.memory_space<vmem>>, vector<2048x128xf32>
      %dot_general3A_188 = arith.constant dense<0.000000e+00> : vector<2048x128xf32>
      %dot_general3A_189 = tpu.matmul %get3A_187, %select_n3A_132, %dot_general3A_188 {dimension_numbers = #tpu.dot_dimension_numbers<[1], [0], [0], [1], [0, 0, 1, 1], [], []>, transpose_lhs_hint = false} : vector<2048x128xf32>, vector<128x128xf32>, vector<2048x128xf32> -> vector<2048x128xf32>
      %add3A_190 = vector.broadcast %tile3A_184 : vector<1x128xf32> to vector<2048x128xf32>
      %add3A_191 = arith.addf %dot_general3A_189, %add3A_190 : vector<2048x128xf32>
      %swap3A_192 = arith.constant 0 : index
      %swap3A_193 = arith.constant 0 : index
      %swap3A_194 = vector.load %arg11[%swap3A_192, %swap3A_193] : memref<2048x128xf32, #tpu.memory_space<vmem>>, vector<2048x128xf32>
      tpu.vector_store %arg11[%swap3A_192, %swap3A_193], %add3A_191 {strides = array<i32>} : memref<2048x128xf32, #tpu.memory_space<vmem>>, vector<2048x128xf32>,
      %broadcast_in_dim3A_195 = arith.constant 0.000000e+00 : f32
      %broadcast_in_dim3A_196 = vector.broadcast %broadcast_in_dim3A_195 : f32 to vector<2048x8xf32>
      %swap3A_197 = arith.constant 0 : index
      %swap3A_198 = arith.constant 0 : index
      %swap3A_199 = vector.load %arg12[%swap3A_197, %swap3A_198] : memref<2048x8xf32, #tpu.memory_space<vmem>>, vector<2048x8xf32>
      tpu.vector_store %arg12[%swap3A_197, %swap3A_198], %broadcast_in_dim3A_196 {strides = array<i32>} : memref<2048x8xf32, #tpu.memory_space<vmem>>, vector<2048x8xf32>,
      %broadcast_in_dim3A_200 = arith.constant 0.000000e+00 : f32
      %broadcast_in_dim3A_201 = vector.broadcast %broadcast_in_dim3A_200 : f32 to vector<2048x8xf32>
      %swap3A_202 = arith.constant 0 : index
      %swap3A_203 = arith.constant 0 : index
      %swap3A_204 = vector.load %arg13[%swap3A_202, %swap3A_203] : memref<2048x8xf32, #tpu.memory_space<vmem>>, vector<2048x8xf32>
      tpu.vector_store %arg13[%swap3A_202, %swap3A_203], %broadcast_in_dim3A_201 {strides = array<i32>} : memref<2048x8xf32, #tpu.memory_space<vmem>>, vector<2048x8xf32>,
    } else {
    }
    %get3A = arith.constant 0 : index
    %get3A_2 = arith.constant 0 : index
    %get3A_3 = vector.load %arg1[%get3A, %get3A_2] : memref<2048x128xf32, #tpu.memory_space<vmem>>, vector<2048x128xf32>
    %get3A_4 = arith.constant 0 : index
    %get3A_5 = arith.constant 0 : index
    %get3A_6 = vector.load %arg14[%get3A_4, %get3A_5] : memref<128x128xf32, #tpu.memory_space<vmem>>, vector<128x128xf32>
    %dot_general3A = arith.constant dense<0.000000e+00> : vector<2048x128xf32>
    %dot_general3A_7 = tpu.matmul %get3A_3, %get3A_6, %dot_general3A {dimension_numbers = #tpu.dot_dimension_numbers<[1], [0], [0], [1], [0, 0, 1, 1], [], []>, transpose_lhs_hint = false} : vector<2048x128xf32>, vector<128x128xf32>, vector<2048x128xf32> -> vector<2048x128xf32>
    %get3A_8 = arith.constant 0 : index
    %get3A_9 = arith.constant 0 : index
    %get3A_10 = vector.load %arg6[%get3A_8, %get3A_9] : memref<1x16xf32, #tpu.memory_space<vmem>>, vector<1x16xf32>
    %tile3A = tpu.concatenate %get3A_10, %get3A_10, %get3A_10, %get3A_10, %get3A_10, %get3A_10, %get3A_10, %get3A_10 in 1 : vector<1x16xf32>, vector<1x16xf32>, vector<1x16xf32>, vector<1x16xf32>, vector<1x16xf32>, vector<1x16xf32>, vector<1x16xf32>, vector<1x16xf32> -> vector<1x128xf32>
    %add3A = vector.broadcast %tile3A : vector<1x128xf32> to vector<2048x128xf32>
    %add3A_11 = arith.addf %dot_general3A_7, %add3A : vector<2048x128xf32>
    %get3A_12 = arith.constant 0 : index
    %get3A_13 = arith.constant 0 : index
    %get3A_14 = vector.load %arg11[%get3A_12, %get3A_13] : memref<2048x128xf32, #tpu.memory_space<vmem>>, vector<2048x128xf32>
    %sub3A = arith.subf %add3A_11, %get3A_14 : vector<2048x128xf32>
    %mul3A = arith.mulf %sub3A, %sub3A : vector<2048x128xf32>
    %get3A_15 = arith.constant 0 : index
    %get3A_16 = arith.constant 0 : index
    %get3A_17 = vector.load %arg15[%get3A_15, %get3A_16] : memref<128x8xf32, #tpu.memory_space<vmem>>, vector<128x8xf32>
    %dot_general3A_18 = arith.constant dense<0.000000e+00> : vector<2048x8xf32>
    %dot_general3A_19 = tpu.matmul %mul3A, %get3A_17, %dot_general3A_18 {dimension_numbers = #tpu.dot_dimension_numbers<[1], [0], [0], [1], [0, 0, 1, 1], [], []>, transpose_lhs_hint = false} : vector<2048x128xf32>, vector<128x8xf32>, vector<2048x8xf32> -> vector<2048x8xf32>
    %sqrt3A = math.sqrt %dot_general3A_19 : vector<2048x8xf32>
    %add3A_20 = arith.constant 9.99999997E-7 : f32
    %add3A_21 = vector.broadcast %add3A_20 : f32 to vector<2048x8xf32>
    %add3A_22 = arith.addf %sqrt3A, %add3A_21 : vector<2048x8xf32>
    %get3A_23 = arith.constant 0 : index
    %get3A_24 = arith.constant 0 : index
    %get3A_25 = vector.load %arg12[%get3A_23, %get3A_24] : memref<2048x8xf32, #tpu.memory_space<vmem>>, vector<2048x8xf32>
    %exp3A = math.exp %add3A_22 : vector<2048x8xf32>
    %add3A_26 = arith.addf %get3A_25, %exp3A : vector<2048x8xf32>
    %swap3A = arith.constant 0 : index
    %swap3A_27 = arith.constant 0 : index
    %swap3A_28 = vector.load %arg12[%swap3A, %swap3A_27] : memref<2048x8xf32, #tpu.memory_space<vmem>>, vector<2048x8xf32>
    tpu.vector_store %arg12[%swap3A, %swap3A_27], %add3A_26 {strides = array<i32>} : memref<2048x8xf32, #tpu.memory_space<vmem>>, vector<2048x8xf32>,
    %get3A_29 = arith.constant 0 : index
    %get3A_30 = arith.constant 0 : index
    %get3A_31 = vector.load %arg13[%get3A_29, %get3A_30] : memref<2048x8xf32, #tpu.memory_space<vmem>>, vector<2048x8xf32>
    %get3A_32 = arith.constant 0 : index
    %get3A_33 = arith.constant 0 : index
    %get3A_34 = vector.load %arg7[%get3A_32, %get3A_33] : memref<2048x8xi32, #tpu.memory_space<vmem>>, vector<2048x8xi32>
    %eq3A_35 = vector.broadcast %arg0 : i32 to vector<2048x8xi32>
    %eq3A_36 = arith.cmpi eq, %get3A_34, %eq3A_35 : vector<2048x8xi32>
    %jit3A = arith.constant 0.000000e+00 : f32
    %broadcast_in_dim3A = vector.broadcast %jit3A : f32 to vector<2048x8xf32>
    %select_n3A = arith.select %eq3A_36, %add3A_22, %broadcast_in_dim3A : vector<2048x8xi1>, vector<2048x8xf32>
    %add3A_37 = arith.addf %get3A_31, %select_n3A : vector<2048x8xf32>
    %swap3A_38 = arith.constant 0 : index
    %swap3A_39 = arith.constant 0 : index
    %swap3A_40 = vector.load %arg13[%swap3A_38, %swap3A_39] : memref<2048x8xf32, #tpu.memory_space<vmem>>, vector<2048x8xf32>
    tpu.vector_store %arg13[%swap3A_38, %swap3A_39], %add3A_37 {strides = array<i32>} : memref<2048x8xf32, #tpu.memory_space<vmem>>, vector<2048x8xf32>,
    %mul3A_41 = arith.mulf %add3A_11, %add3A_11 : vector<2048x128xf32>
    %reduce_sum3A = vector.shape_cast %mul3A_41 : vector<2048x128xf32> to vector<1x2048x128xf32>
    %reduce_sum3A_42 = arith.constant dense<0.000000e+00> : vector<1xf32>
    %reduce_sum3A_43 = vector.multi_reduction <add>, %reduce_sum3A, %reduce_sum3A_42 [1, 2] : vector<1x2048x128xf32> to vector<1xf32>
    %reduce_sum3A_44 = vector.shape_cast %reduce_sum3A_43 : vector<1xf32> to vector<1x1x1xf32>
    %reduce_sum3A_45 = vector.extract %reduce_sum3A_44[0, 0, 0] : f32 from vector<1x1x1xf32>
    %eq3A_46 = arith.constant 0 : i32
    %eq3A_47 = arith.cmpi eq, %arg0, %eq3A_46 : i32
    %convert_element_type3A_48 = arith.extui %eq3A_47 : i1 to i32
    %cond3A_49 = arith.constant 0 : i32
    %cond3A_50 = arith.cmpi ne, %convert_element_type3A_48, %cond3A_49 : i32
    scf.if %cond3A_50 {
      %get3A_60 = arith.constant 0 : index
      %get3A_61 = arith.constant 0 : index
      %get3A_62 = vector.load %arg11[%get3A_60, %get3A_61] : memref<2048x128xf32, #tpu.memory_space<vmem>>, vector<2048x128xf32>
      %get3A_63 = arith.constant 0 : index
      %get3A_64 = arith.constant 0 : index
      %get3A_65 = vector.load %arg11[%get3A_63, %get3A_64] : memref<2048x128xf32, #tpu.memory_space<vmem>>, vector<2048x128xf32>
      %mul3A_66 = arith.mulf %get3A_62, %get3A_65 : vector<2048x128xf32>
      %reduce_sum3A_67 = vector.shape_cast %mul3A_66 : vector<2048x128xf32> to vector<1x2048x128xf32>
      %reduce_sum3A_68 = arith.constant dense<0.000000e+00> : vector<1xf32>
      %reduce_sum3A_69 = vector.multi_reduction <add>, %reduce_sum3A_67, %reduce_sum3A_68 [1, 2] : vector<1x2048x128xf32> to vector<1xf32>
      %reduce_sum3A_70 = vector.shape_cast %reduce_sum3A_69 : vector<1xf32> to vector<1x1x1xf32>
      %reduce_sum3A_71 = vector.extract %reduce_sum3A_70[0, 0, 0] : f32 from vector<1x1x1xf32>
      %add3A_72 = arith.addf %reduce_sum3A_71, %reduce_sum3A_45 : f32
      %broadcast_in_dim3A_73 = vector.broadcast %add3A_72 : f32 to vector<1x1xf32>
      %swap3A_74 = arith.constant 0 : index
      %swap3A_75 = arith.constant 0 : index
      %swap3A_76 = vector.load %arg10[%swap3A_74, %swap3A_75] : memref<1x1xf32, #tpu.memory_space<vmem>>, vector<1x1xf32>
      tpu.vector_store %arg10[%swap3A_74, %swap3A_75], %broadcast_in_dim3A_73 {strides = array<i32>} : memref<1x1xf32, #tpu.memory_space<vmem>>, vector<1x1xf32>,
      %broadcast_in_dim3A_77 = arith.constant 0.000000e+00 : f32
      %broadcast_in_dim3A_78 = vector.broadcast %broadcast_in_dim3A_77 : f32 to vector<1x1xf32>
      %swap3A_79 = arith.constant 0 : index
      %swap3A_80 = arith.constant 0 : index
      %swap3A_81 = vector.load %arg9[%swap3A_79, %swap3A_80] : memref<1x1xf32, #tpu.memory_space<vmem>>, vector<1x1xf32>
      tpu.vector_store %arg9[%swap3A_79, %swap3A_80], %broadcast_in_dim3A_78 {strides = array<i32>} : memref<1x1xf32, #tpu.memory_space<vmem>>, vector<1x1xf32>,
    } else {
    }
    %ne3A = arith.constant 0 : i32
    %ne3A_51 = arith.cmpi ne, %arg0, %ne3A : i32
    %convert_element_type3A_52 = arith.extui %ne3A_51 : i1 to i32
    %cond3A_53 = arith.constant 0 : i32
    %cond3A_54 = arith.cmpi ne, %convert_element_type3A_52, %cond3A_53 : i32
    scf.if %cond3A_54 {
      %get3A_60 = arith.constant 0 : index
      %get3A_61 = arith.constant 0 : index
      %get3A_62 = vector.load %arg10[%get3A_60, %get3A_61] : memref<1x1xf32, #tpu.memory_space<vmem>>, vector<1x1xf32>
      %broadcast_in_dim3A_63 = vector.broadcast %reduce_sum3A_45 : f32 to vector<1x1xf32>
      %add3A_64 = arith.addf %get3A_62, %broadcast_in_dim3A_63 : vector<1x1xf32>
      %swap3A_65 = arith.constant 0 : index
      %swap3A_66 = arith.constant 0 : index
      %swap3A_67 = vector.load %arg10[%swap3A_65, %swap3A_66] : memref<1x1xf32, #tpu.memory_space<vmem>>, vector<1x1xf32>
      tpu.vector_store %arg10[%swap3A_65, %swap3A_66], %add3A_64 {strides = array<i32>} : memref<1x1xf32, #tpu.memory_space<vmem>>, vector<1x1xf32>,
    } else {
    }
    %eq3A_55 = arith.constant 49 : i32
    %eq3A_56 = arith.cmpi eq, %arg0, %eq3A_55 : i32
    %convert_element_type3A_57 = arith.extui %eq3A_56 : i1 to i32
    %cond3A_58 = arith.constant 0 : i32
    %cond3A_59 = arith.cmpi ne, %convert_element_type3A_57, %cond3A_58 : i32
    scf.if %cond3A_59 {
      %get3A_60 = arith.constant 0 : index
      %get3A_61 = arith.constant 0 : index
      %get3A_62 = vector.load %arg12[%get3A_60, %get3A_61] : memref<2048x8xf32, #tpu.memory_space<vmem>>, vector<2048x8xf32>
      %log3A = math.log %get3A_62 : vector<2048x8xf32>
      %get3A_63 = arith.constant 0 : index
      %get3A_64 = arith.constant 0 : index
      %get3A_65 = vector.load %arg13[%get3A_63, %get3A_64] : memref<2048x8xf32, #tpu.memory_space<vmem>>, vector<2048x8xf32>
      %sub3A_66 = arith.subf %get3A_65, %log3A : vector<2048x8xf32>
      %get3A_67 = arith.constant 0 : index
      %get3A_68 = arith.constant 0 : index
      %get3A_69 = vector.load %arg8[%get3A_67, %get3A_68] : memref<2048x8xf32, #tpu.memory_space<vmem>>, vector<2048x8xf32>
      %mul3A_70 = arith.mulf %sub3A_66, %get3A_69 : vector<2048x8xf32>
      %reduce_sum3A_71 = vector.shape_cast %mul3A_70 : vector<2048x8xf32> to vector<1x2048x8xf32>
      %reduce_sum3A_72 = arith.constant dense<0.000000e+00> : vector<1xf32>
      %reduce_sum3A_73 = vector.multi_reduction <add>, %reduce_sum3A_71, %reduce_sum3A_72 [1, 2] : vector<1x2048x8xf32> to vector<1xf32>
      %reduce_sum3A_74 = vector.shape_cast %reduce_sum3A_73 : vector<1xf32> to vector<1x1x1xf32>
      %reduce_sum3A_75 = vector.extract %reduce_sum3A_74[0, 0, 0] : f32 from vector<1x1x1xf32>
      %broadcast_in_dim3A_76 = vector.broadcast %reduce_sum3A_75 : f32 to vector<1x1xf32>
      %swap3A_77 = arith.constant 0 : index
      %swap3A_78 = arith.constant 0 : index
      %swap3A_79 = vector.load %arg9[%swap3A_77, %swap3A_78] : memref<1x1xf32, #tpu.memory_space<vmem>>, vector<1x1xf32>
      tpu.vector_store %arg9[%swap3A_77, %swap3A_78], %broadcast_in_dim3A_76 {strides = array<i32>} : memref<1x1xf32, #tpu.memory_space<vmem>>, vector<1x1xf32>,
    } else {
    }
    return
  }
  func.func @transform_0(%arg0: i32) -> (i32, i32) {
    %c0_i32 = arith.constant 0 : i32
    %c0_i32_0 = arith.constant 0 : i32
    return %arg0, %c0_i32 : i32, i32
  }
  func.func @transform_1(%arg0: i32) -> (i32, i32) {
    %c0_i32 = arith.constant 0 : i32
    %c0_i32_0 = arith.constant 0 : i32
    %c0_i32_1 = arith.constant 0 : i32
    return %c0_i32, %c0_i32_0 : i32, i32
  }
  func.func @transform_2(%arg0: i32) -> (i32, i32) {
    %c0_i32 = arith.constant 0 : i32
    %c0_i32_0 = arith.constant 0 : i32
    %c0_i32_1 = arith.constant 0 : i32
    return %c0_i32, %c0_i32_0 : i32, i32
  }
  func.func @transform_3(%arg0: i32) -> (i32, i32) {
    %c0_i32 = arith.constant 0 : i32
    %c0_i32_0 = arith.constant 0 : i32
    %c0_i32_1 = arith.constant 0 : i32
    return %c0_i32, %c0_i32_0 : i32, i32
  }
  func.func @transform_4(%arg0: i32) -> (i32, i32) {
    %c0_i32 = arith.constant 0 : i32
    %c0_i32_0 = arith.constant 0 : i32
    %c0_i32_1 = arith.constant 0 : i32
    return %c0_i32, %c0_i32_0 : i32, i32
  }
  func.func @transform_5(%arg0: i32) -> (i32, i32) {
    %c0_i32 = arith.constant 0 : i32
    %c0_i32_0 = arith.constant 0 : i32
    %c0_i32_1 = arith.constant 0 : i32
    return %c0_i32, %c0_i32_0 : i32, i32
  }
  func.func @transform_6(%arg0: i32) -> (i32, i32) {
    %c0_i32 = arith.constant 0 : i32
    %c0_i32_0 = arith.constant 0 : i32
    %c0_i32_1 = arith.constant 0 : i32
    return %c0_i32, %c0_i32_0 : i32, i32
  }
  func.func @transform_7(%arg0: i32) -> (i32, i32) {
    %c0_i32 = arith.constant 0 : i32
    %c0_i32_0 = arith.constant 0 : i32
    %c0_i32_1 = arith.constant 0 : i32
    return %c0_i32, %c0_i32_0 : i32, i32
  }
  func.func @transform_8(%arg0: i32) -> (i32, i32) {
    %c0_i32 = arith.constant 0 : i32
    %c0_i32_0 = arith.constant 0 : i32
    %c0_i32_1 = arith.constant 0 : i32
    return %c0_i32, %c0_i32_0 : i32, i32
  }
  func.func @transform_9(%arg0: i32) -> (i32, i32) {
    %c0_i32 = arith.constant 0 : i32
    %c0_i32_0 = arith.constant 0 : i32
    %c0_i32_1 = arith.constant 0 : i32
    return %c0_i32, %c0_i32_0 : i32, i32
  }
}

</mosaic_0001>

<sc_bundles>
// kernel: kernel.10.cloned.1.call-start
scs
__scs_entry_jumppad:
0x0: {  	(pc) =	sbr.rel $0x88, $3  }
0x1: {  	(tag) =	ssettag $0x0;
	lr =	simm.s32 $0x1  }
0x2: {  	[smem:$0x3F97] =	sst lr;
	_ =	strace $0xD0000000  }
0x3: {  	_ = 	snop  }
0x4: {  	_ = 	snop  }
0x5: {  	_ = 	snop  }
0x6: {  	_ = 	snop  }
0x7: {  	_ = 	snop  }
__scs_overlays_trampoline_lowered:
0x8: {  	[smem:$0x3FA6] =	sst s0  }
0x9: {  	[smem:$0x3FA7] =	sst s1  }
0xa: {  	[smem:$0x3FA8] =	sst s2  }
0xb: {  	[smem:$0x3FA9] =	sst s3  }
0xc: {  	[smem:$0x3FAA] =	sst s4  }
0xd: {  	[smem:$0x3FAB] =	sst s5  }
0xe: {  	[smem:$0x3FAC] =	sst s6  }
0xf: {  	[smem:$0x3FAD] =	sst s7  }
0x10: {  	[smem:$0x3FAE] =	sst s8  }
0x11: {  	[smem:$0x3FAF] =	sst s9;
	s0 =	simm.s32 @!p0 $0x0  }
0x12: {  	s1 =	sld [smem:$0x3F95];
	s0 =	simm.s32 @p0 $0x1  }
0x13: {  	[smem:$0x3FB0] =	sst s0;
	s0 =	simm.s32 @!p1 $0x0  }
0x14: {  	s2 =	sld [smem:$0x3F94];
	s0 =	simm.s32 @p1 $0x1  }
0x15: {  	[smem:$0x3FB1] =	sst s0;
	s0 =	simm.s32 @!p2 $0x0  }
0x16: {  	s3 =	sld [smem:$0x3FDB];
	s0 =	simm.s32 @p2 $0x1  }
0x17: {  	s4 =	simm.s32 $0x1BF5;
	[smem:$0x3FB3] =	sst s0  }
0x18: {  	s0 =	sld [smem:$0x3F96];
	_ =	swait.ge [sflag:s4], $0x0  }
0x19: {  	s7 =	sld [smem:$0x3F97]  }
0x1a: {  	s8 =	sadd.s32 $0xFFFFE003, lr  }
0x1b: {  	s9 =	sadd.s32 $0xFFFFFEF7, lr;
	s5 =	simm.s32 $0xFFFFFFFF;
	p2 =	slt.u32 s8, $0xFFFFF086  }
0x1c: {  	p1 =	slt.u32 s9, $0xF7A;
	s5 =	simm.s32 @!p2 $0x0  }
0x1d: {  	s5 =	simm.s32 @p1 $0x1;
	p0 =	seq.s32 s7, s2  }
0x1e: {  	s7 =	smul.u32 @!p0 $0xF7A, s2;
	p2 =	seq.s32 @!p0 s5, $0x0  }
0x1f: {  	s9 =	smul.u32 $0xF7A, s1;
	s8 =	simm.s32 @!p0 $0x1BF5;
	p2 =	por !p2, p0  }
0x20: {  	[sflag:s8] =	ssyncset.s32 @!p0 $0xFFFFF086;
	s6 =	sadd.s32 @!p0 s3, s7;
	s7 =	simm.s32 @!p0 $0x108  }
0x21: {  	s3 =	sadd.s32 s3, s9;
	s6 =	sadd.s32 @!p0 $0x88, s6;
	s7 =	simm.s32 @p2 $0x1082  }
0x22: {  	[simem:s7], [sflag:s8] =	dma.local @!p0 [hbm:s6], $0xF7A  }
0x23: {  	s9 =	sor.u32 $0xD0000000, s2;
	s6 =	simm.s32 $0x108;
	_ =	swait.ge @!p0 [sflag:s8], $0x0  }
0x24: {  	s3 =	sadd.s32 $0x88, s3;
	s6 =	simm.s32 @!p1 $0x1082;
	[sflag:s4] =	ssyncset.s32 $0xFFFFF086  }
0x25: {  	[simem:s6], [sflag:s4] =	dma.local [hbm:s3], $0xF7A  }
0x26: {  	[smem:$0x3F97] =	sst s1;
	(tag) =	ssettag s2;
	_ =	strace s9  }
0x27: {  	s1 =	sld [smem:$0x3FA7]  }
0x28: {  	s2 =	sld [smem:$0x3FA8]  }
0x29: {  	s4 =	sld [smem:$0x3FAA]  }
0x2a: {  	p0 =	seq.s32 s5, $0x0;
	s5 =	sld [smem:$0x3FAB]  }
0x2b: {  	s6 =	sld [smem:$0x3FAC]  }
0x2c: {  	s7 =	sld [smem:$0x3FAD]  }
0x2d: {  	s3 =	simm.s32 $0x108;
	s8 =	sld [smem:$0x3FAE]  }
0x2e: {  	s3 =	simm.s32 @!p0 $0x1082;
	s9 =	sld [smem:$0x3FAF]  }
0x2f: {  	lr =	sadd.s32 s0, s3;
	s0 =	sld [smem:$0x3FA6]  }
0x30: {  	s3 =	sld [smem:$0x3FA9]  }
0x31: {  	[smem:$0x3FB2] =	sst s10  }
0x32: {  	s10 =	sld [smem:$0x3FB0];
	_ =	sdelay $0x3  }
0x33: {  	p0 =	seq.s32 s10, $0x1;
	s10 =	sld [smem:$0x3FB2];
	_ =	sdelay $0x3  }
0x34: {  	[smem:$0x3FB2] =	sst s10  }
0x35: {  	s10 =	sld [smem:$0x3FB1];
	_ =	sdelay $0x3  }
0x36: {  	p1 =	seq.s32 s10, $0x1;
	s10 =	sld [smem:$0x3FB2];
	_ =	sdelay $0x3  }
0x37: {  	[smem:$0x3FB2] =	sst s10  }
0x38: {  	s10 =	sld [smem:$0x3FB3]  }
0x39: {  	_ = 	snop;
	(pc) =	sbr.ind lr, $3  }
0x3a: {  	_ = 	snop  }
0x3b: {  	_ = 	snop  }
0x3c: {  	p2 =	seq.s32 s10, $0x1;
	s10 =	sld [smem:$0x3FB2]  }
0x3d: {  	_ =	shalt  }
0x3e: {  	_ =	shalt  }
0x3f: {  	_ =	shalt  }
0x40: {  	_ =	shalt  }
0x41: {  	_ =	shalt  }
0x42: {  	_ =	shalt  }
0x43: {  	_ =	shalt  }
0x44: {  	_ =	shalt  }
0x45: {  	_ =	shalt  }
0x46: {  	_ =	shalt  }
0x47: {  	_ =	shalt  }
0x48: {  	_ =	shalt  }
0x49: {  	_ =	shalt  }
0x4a: {  	_ =	shalt  }
0x4b: {  	_ =	shalt  }
0x4c: {  	_ =	shalt  }
0x4d: {  	_ =	shalt  }
0x4e: {  	_ =	shalt  }
0x4f: {  	_ =	shalt  }
0x50: {  	_ =	shalt  }
0x51: {  	_ =	shalt  }
0x52: {  	_ =	shalt  }
0x53: {  	_ =	shalt  }
0x54: {  	_ =	shalt  }
0x55: {  	_ =	shalt  }
0x56: {  	_ =	shalt  }
0x57: {  	_ =	shalt  }
0x58: {  	_ =	shalt  }
0x59: {  	_ =	shalt  }
0x5a: {  	_ =	shalt  }
0x5b: {  	_ =	shalt  }
0x5c: {  	_ =	shalt  }
0x5d: {  	_ =	shalt  }
0x5e: {  	_ =	shalt  }
0x5f: {  	_ =	shalt  }
0x60: {  	_ =	shalt  }
0x61: {  	_ =	shalt  }
0x62: {  	_ =	shalt  }
0x63: {  	_ =	shalt  }
0x64: {  	_ =	shalt  }
0x65: {  	_ =	shalt  }
0x66: {  	_ =	shalt  }
0x67: {  	_ =	shalt  }
0x68: {  	_ =	shalt  }
0x69: {  	_ =	shalt  }
0x6a: {  	_ =	shalt  }
0x6b: {  	_ =	shalt  }
0x6c: {  	_ =	shalt  }
0x6d: {  	_ =	shalt  }
0x6e: {  	_ =	shalt  }
0x6f: {  	_ =	shalt  }
0x70: {  	_ =	shalt  }
0x71: {  	_ =	shalt  }
0x72: {  	_ =	shalt  }
0x73: {  	_ =	shalt  }
0x74: {  	_ =	shalt  }
0x75: {  	_ =	shalt  }
0x76: {  	_ =	shalt  }
0x77: {  	_ =	shalt  }
0x78: {  	_ =	shalt  }
0x79: {  	_ =	shalt  }
0x7a: {  	_ =	shalt  }
0x7b: {  	_ =	shalt  }
0x7c: {  	_ =	shalt  }
0x7d: {  	_ =	shalt  }
0x7e: {  	_ =	shalt  }
0x7f: {  	_ =	shalt  }
0x80: {  	_ =	shalt  }
0x81: {  	_ =	shalt  }
0x82: {  	_ =	shalt  }
0x83: {  	_ =	shalt  }
0x84: {  	_ =	shalt  }
0x85: {  	_ =	shalt  }
0x86: {  	_ =	shalt  }
0x87: {  	_ =	shalt  }
.Lfunc_end0:
.L_simem_size_0:
called_computation.1_lowered:
.L_overlay_start_0:
0x88: {  	s2 =	sld [smem:$0x3FD9]  }
0x89: {  	s3 =	sld [smem:$0x3FFE];
	_ =	sdelay $0x1  }
0x8a: {  	s1 =	srdreg.scid  }
0x8b: {  	s0 =	sand.u32 $0x1, s1  }
0x8c: {  	s17 =	sshll.u32 s0, $0xA;
	s2 =	sadd.s32 s3, s2  }
0x8d: {  	s2 =	sadd.s32 s2, s17  }
0x8e: {  	[smem:$0x3FBE] =	sst s2  }
0x8f: {  	_ = 	snop  }
0x90: {  	(tm) =	ssettm $0x1  }
0x91: {  	s18 =	sld [smem:$0x3FFB];
	_ =	sdelay $0x3  }
0x92: {  	_ =	strace s18  }
0x93: {  	s2 =	sld [smem:$0x3FFC];
	_ =	sdelay $0x3  }
0x94: {  	_ =	strace s2  }
0x95: {  	s2 =	sld [smem:$0x3FFD];
	_ =	sdelay $0x3  }
0x96: {  	_ =	strace s2  }
0x97: {  	_ =	strace $0x8FFFFFFF  }
0x98: {  	s19 =	sld [smem:$0x3FDB];
	_ =	sdelay $0x1  }
0x99: {  	s20 =	simm.s32 $_scs_section_size  }
0x9a: {  	s4 =	simm.s32 $_size__tile_overlayer_lowered;
	s5 =	simm.s32 $_tile_overlayer_lowered  }
0x9b: {  	s6 =	simm.s32 $0x1BFF;
	s21 =	sshll.u32 s5, $0x1;
	s3 =	sadd.s32 s20, s19  }
0x9c: {  	s22 =	simm.s32 $0x0;
	s4 =	sshll.u32 s4, $0x1;
	s5 =	sadd.s32 s21, s3  }
0x9d: {  	[timem:s22], [sflag:s6] =	dma.local [hbm:s5], s4  }
0x9e: {  	_ =	swait.ge [sflag:s6], s4  }
0x9f: {  	s4 =	ssub.s32 $0x0, s4;
	[sflag:s6] =	ssyncset.done $0x0  }
0xa0: {  	[sflag:s6] =	ssyncadd.s32 s4;
	_ =	sdelay $0x1  }
0xa1: {  	s23 =	simm.s32 $0x1B8B  }
0xa2: {  	_ =	swait.ge [sflag:s23], $0x1  }
0xa3: {  	[sflag:s23] =	ssyncset.done $0x0  }
0xa4: {  	[sflag:s23] =	ssyncadd.s32 $0xFFFFFFFF  }
0xa5: {  	s4 =	sld [smem:$0x0]  }
0xa6: {  	s5 =	sand.u32 $0xFFFFFFFE, s1  }
0xa7: {  	p0 =	sne.s32 s1, s5  }
0xa8: {  	s5 =	sshll.u32 @p0 s5, $0xE  }
0xa9: {  	s5 =	sadd.s32 @p0 $0x11B8D, s5;
	s6 =	sshll.u32 @p0 s4, $0x11  }
0xaa: {  	s5 =	sor.u32 @p0 s6, s5  }
0xab: {  	[sflag:s5] =	ssyncadd.remote.s32 @p0 $0x1;
	_ =	sdelay $0x1  }
0xac: {  	s5 =	simm.s32 @p0 $0x1B8D  }
0xad: {  	_ =	swait.eq @p0 [sflag:s5], $0x1  }
0xae: {  	[sflag:s5] =	ssyncadd.s32 @p0 $0xFFFFFFFF  }
0xaf: {  	s6 =	sshll.u32 @!p0 s1, $0xE  }
0xb0: {  	s6 =	sor.u32 @!p0 $0x4000, s6;
	s5 =	simm.s32 @!p0 $0x1B8D  }
0xb1: {  	s4 =	sshll.u32 @!p0 s4, $0x11;
	s6 =	sadd.s32 @!p0 $0x11B8D, s6;
	_ =	swait.eq @!p0 [sflag:s5], $0x1  }
0xb2: {  	s4 =	sor.u32 @!p0 s4, s6;
	[sflag:s5] =	ssyncadd.s32 @!p0 $0xFFFFFFFF  }
0xb3: {  	s25 =	simm.s32 $0x1B8E;
	s24 =	sld [smem:$0x3FFE];
	[sflag:s4] =	ssyncadd.remote.s32 @!p0 $0x1  }
0xb4: {  	s26 =	simm.s32 $execute0_lowered;
	[smem:$0x3FD2] =	sst s25  }
0xb5: {  	s5 =	sshll.u32 s26, $0x1;
	_ =	strace $0x80000049;
	[dreg:$0x1] =	wrdreg $0xFFFFFFFF  }
0xb6: {  	s28 =	simm.s32 $_size_execute0_lowered;
	s3 =	sadd.s32 s3, s5;
	[dreg:$0x0] =	wrdreg $0x0  }
0xb7: {  	s5 =	sshll.u32 s28, $0x1;
	[dreg:$0x2] =	wrdreg s3  }
0xb8: {  	[dreg:$0x3] =	wrdreg s5  }
0xb9: {  	[dreg:$0x4] =	wrdreg $0xC0  }
0xba: {  	_ =	task [dreg:s22], $0x5FFFF  }
0xbb: {  	[dreg:$0x1] =	wrdreg $0xFFFFFFFF  }
0xbc: {  	[dreg:$0x0] =	wrdreg $0x60  }
0xbd: {  	[dreg:$0x2] =	wrdreg s24  }
0xbe: {  	[dreg:$0x3] =	wrdreg $0xA  }
0xbf: {  	_ =	task.clear_ibuf [dreg:s22], $0x4FFFF;
	_ =	strace $0x90000049  }
0xc0: {  	s29 =	simm.s32 $0xA;
	_ =	strace $0x8000004B  }
0xc1: {  	_ =	swait.ge [sflag:s29], $0x1  }
0xc2: {  	[sflag:s29] =	ssyncadd.s32 $0xFFFFFFFF  }
0xc3: {  	_ =	strace $0x9000004B  }
0xc4: {  	_ =	sfence  }
0xc5: {  	s30 =	sld [smem:$0x0];
	_ =	sdelay $0x2  }
0xc6: {  	s31 =	sshll.u32 s1, $0xD;
	s1 =	sshrl.u32 s1, $0x2  }
0xc7: {  	s4 =	sand.u32 $0x4000, s31;
	s1 =	sadd.s32 s1, s30  }
0xc8: {  	s0 =	sor.u32 s4, s0;
	s1 =	sshll.u32 s1, $0x11  }
0xc9: {  	s0 =	sor.u32 s1, s0  }
0xca: {  	s0 =	sadd.s32 $0x8F2B, s0  }
0xcb: {  	[sflag:s0] =	ssyncadd.remote.s32 $0x1  }
0xcc: {  	_ =	sfence.sel $0xFFFF  }
0xcd: {  	[dreg:$0x0] =	wrdreg $0xFFFFFFFF;
	(pc) =	sbr.abs _section_cstart, $3  }
0xce: {  	[dreg:$0x1] =	wrdreg $0xFFFFFFFF  }
0xcf: {  	_ =	task.clear_ibuf [dreg:s22], $0x2FFFF;
	_ =	strace $0x9FFFFFFF  }
0xd0: {  	(tm) =	ssettm $0x7FFFFFFF  }
0xd1: {  	_ =	shalt  }
tec
execute0_lowered:
.L_overlay_start_1:
0x0: {  	(tag) =	ssettag $0x1  }
0x1: {  	s1 =	srdreg.scid;
	s0 =	stileid.u32  }
0x2: {  	s14 =	sand.u32 $0x1, s1;
	s29 =	sshll.u32 s0, $0x1  }
0x3: {  	s15 =	rddreg [dreg:$0x0];
	s16 =	sor.u32 s14, s29  }
0x4: {  	s2 =	simm.s32 $0x0;
	s1 =	rddreg [dreg:$0x1];
	s3 =	sshll.u32 s16, $0x6  }
0x5: {  	[smem:$0x7FF] =	sst s2;
	s3 =	sadd.s32 s3, s15  }
0x6: {  	_ =	strace $0x8000004A;
	s4 =	sadd.s32 $0x58A800, s3;
	s3 =	simm.s32 $0x2  }
0x7: {  	[tilespmem:s2], [sflag:$0x2] =	stream.linear.gather [hbm4b:s4+s2], $0x200, $0x38;
	[tilespmem:$0x2200] =	vst v63  }
0x8: {  	_ =	swait.ge [sflag:s3], $0x200  }
0x9: {  	s6 =	simm.s32 $0x80;
	[sflag:s3] =	ssyncset.done $0x0  }
0xa: {  	s7 =	simm.s32 $0x200;
	s5 =	sadd.s32 $0x39A800, s15;
	[sflag:s3] =	ssyncadd.s32 $0xFFFFFE00  }
0xb: {  	[tilespmem:s7], [sflag:$0x1] =	stream.indirect.gather [hbm4b:s5+s6], $0x10, s2, s6, $0xb8;
	[tilespmem:$0x2200] =	vst v63  }
0xc: {  	s8 =	simm.s32 $0xA00  }
0xd: {  	[tilespmem:s8], [sflag:$0x1] =	stream.indirect.gather [hbm4b:s5+s6], $0x10, s6, s6, $0xb8;
	[tilespmem:$0x2200] =	vst v63  }
0xe: {  	s9 =	simm.s32 $0x100;
	s10 =	simm.s32 $0x1200  }
0xf: {  	[tilespmem:s10], [sflag:$0x1] =	stream.indirect.gather [hbm4b:s5+s6], $0x10, s9, s6, $0xb8;
	[tilespmem:$0x2200] =	vst v63  }
0x10: {  	s11 =	simm.s32 $0x180;
	s12 =	simm.s32 $0x1A00;
	s13 =	simm.s32 $0x1  }
0x11: {  	[tilespmem:s12], [sflag:$0x1] =	stream.indirect.gather [hbm4b:s5+s6], $0x10, s11, s6, $0xb8;
	[tilespmem:$0x2200] =	vst v63  }
0x12: {  	_ =	swait.ge [sflag:s13], $0x800  }
0x13: {  	[sflag:s13] =	ssyncset.done $0x0  }
0x14: {  	[sflag:s13] =	ssyncadd.s32 $0xFFFFF800  }
0x15: {  	_ =	swait.ge [sflag:s13], $0x800  }
0x16: {  	[sflag:s13] =	ssyncset.done $0x0  }
0x17: {  	s14 =	ssub.s32 $0x2, s14;
	[sflag:s13] =	ssyncadd.s32 $0xFFFFF800  }
0x18: {  	s17 =	sshrl.u32 s14, $0x1;
	_ =	swait.ge [sflag:s13], $0x800  }
0x19: {  	s30 =	ssub.s32 s14, s17;
	[sflag:s13] =	ssyncset.done $0x0  }
0x1a: {  	s31 =	smax.u32 s30, $0x1;
	[sflag:s13] =	ssyncadd.s32 $0xFFFFF800  }
0x1b: {  	s16 =	sshll.u32 s16, $0xA;
	p0 =	sne.s32 s31, $0x1;
	_ =	swait.ge [sflag:s13], $0x800  }
.Ltmp0:
0x1c: {  	s15 =	sadd.s32 s16, s15;
	[sflag:s13] =	ssyncset.done $0x0;
	(pc) =	sbr.rel @!p0 .LBB2_2-.Ltmp0, $4  }
0x1d: {  	s14 =	sadd.s32 $0x58B000, s15;
	[sflag:s13] =	ssyncadd.s32 $0xFFFFF800  }
0x1e: {  	[hbm4b:s14+s2] =	stream.linear.scatter [tilespmem:s7], [sflag:$0x2], $0x2000, $0x38;
	[tilespmem:$0x2200] =	vst v63  }
0x1f: {  	_ =	swait.ge [sflag:s3], $0x2000  }
0x20: {  	s15 =	sadd.s32 $0xFFFFFFFF, s31;
	[sflag:s3] =	ssyncset.done $0x0  }
.LBB2_1:
0x21: {  	p0 =	sne.s32 s15, $0x1;
	s15 =	sadd.s32 $0xFFFFFFFF, s15;
	[sflag:s3] =	ssyncadd.s32 $0xFFFFE000  }
0x22: {  	[tilespmem:s2], [sflag:$0x2] =	stream.linear.gather [hbm4b:s4+s2], $0x200, $0x38;
	[tilespmem:$0x2200] =	vst v63  }
0x23: {  	_ =	swait.ge [sflag:s3], $0x200  }
0x24: {  	[sflag:s3] =	ssyncset.done $0x0  }
0x25: {  	[sflag:s3] =	ssyncadd.s32 $0xFFFFFE00  }
0x26: {  	[tilespmem:s7], [sflag:$0x1] =	stream.indirect.gather [hbm4b:s5+s6], $0x10, s2, s6, $0xb8;
	[tilespmem:$0x2200] =	vst v63  }
0x27: {  	_ = 	snop  }
0x28: {  	[tilespmem:s8], [sflag:$0x1] =	stream.indirect.gather [hbm4b:s5+s6], $0x10, s6, s6, $0xb8;
	[tilespmem:$0x2200] =	vst v63  }
0x29: {  	_ = 	snop  }
0x2a: {  	[tilespmem:s10], [sflag:$0x1] =	stream.indirect.gather [hbm4b:s5+s6], $0x10, s9, s6, $0xb8;
	[tilespmem:$0x2200] =	vst v63  }
0x2b: {  	_ = 	snop  }
0x2c: {  	[tilespmem:s12], [sflag:$0x1] =	stream.indirect.gather [hbm4b:s5+s6], $0x10, s11, s6, $0xb8;
	[tilespmem:$0x2200] =	vst v63  }
0x2d: {  	_ =	swait.ge [sflag:s13], $0x800  }
0x2e: {  	[sflag:s13] =	ssyncset.done $0x0  }
0x2f: {  	[sflag:s13] =	ssyncadd.s32 $0xFFFFF800  }
0x30: {  	_ =	swait.ge [sflag:s13], $0x800  }
0x31: {  	[sflag:s13] =	ssyncset.done $0x0  }
0x32: {  	[sflag:s13] =	ssyncadd.s32 $0xFFFFF800  }
0x33: {  	_ =	swait.ge [sflag:s13], $0x800  }
0x34: {  	[sflag:s13] =	ssyncset.done $0x0  }
0x35: {  	[sflag:s13] =	ssyncadd.s32 $0xFFFFF800  }
0x36: {  	_ =	swait.ge [sflag:s13], $0x800  }
.Ltmp1:
0x37: {  	[sflag:s13] =	ssyncset.done $0x0;
	(pc) =	sbr.rel @p0 .LBB2_1-.Ltmp1, $4  }
0x38: {  	[sflag:s13] =	ssyncadd.s32 $0xFFFFF800  }
0x39: {  	[hbm4b:s14+s2] =	stream.linear.scatter [tilespmem:s7], [sflag:$0x2], $0x2000, $0x38;
	[tilespmem:$0x2200] =	vst v63  }
0x3a: {  	_ =	swait.ge [sflag:s3], $0x2000  }
0x3b: {  	[sflag:s3] =	ssyncset.done $0x0  }
.LBB2_2:
0x3c: {  	[sflag:s3] =	ssyncadd.s32 $0xFFFFE000  }
0x3d: {  	_ =	sfence.sel $0x180000  }
0x3e: {  	[bflag:$0x0] =	sbarrier.arrive $0xFFFF  }
0x3f: {  	p0 =	sne.s32 s0, $0x0;
	_ =	strace $0x9000004A  }
0x40: {  	s0 =	sadd.s32 @!p0 $0x100000, s1;
	[bflag:$0x2] =	sbarrier.arrive $0xFFFF  }
0x41: {  	[sflag:s0] =	ssyncadd.tile.s32 @!p0 $0x1;
	_ =	shalt  }
.Lfunc_end2:
_tile_overlayer_lowered:
.L_overlay_start_2:
0x42: {  	(tag) =	ssettag $0x2  }
0x43: {  	s0 =	rddreg [dreg:$0x0];
	s2 =	stileid.u32  }
0x44: {  	s1 =	rddreg [dreg:$0x1];
	p0 =	sne.s32 s2, $0x0  }
0x45: {  	s3 =	rddreg [dreg:$0x2];
	[bflag:$0x3] =	sbarrier.arrive $0xFFFF;
	s2 =	simm.s32 @!p0 $0x1C02  }
0x46: {  	[timem:s3], [sflag:s2] =	dma.local @!p0 [hbm:s0], s1  }
0x47: {  	s0 =	simm.s32 @!p0 $0x2  }
0x48: {  	_ =	swait.ge @!p0 [sflag:s0], s1  }
0x49: {  	s1 =	ssub.s32 @!p0 $0x0, s1;
	[sflag:s0] =	ssyncset.done @!p0 $0x0  }
0x4a: {  	[sflag:s0] =	ssyncadd.s32 @!p0 s1  }
0x4b: {  	[bflag:$0x3] =	sbarrier.arrive $0xFFFF  }
0x4c: {  	_ =	shalt  }

// kernel: kernel.7.cloned.1.call-start
scs
__scs_entry_jumppad:
0x0: {  	(pc) =	sbr.rel $0x88, $3  }
0x1: {  	(tag) =	ssettag $0x0;
	lr =	simm.s32 $0x1  }
0x2: {  	[smem:$0x3F97] =	sst lr;
	_ =	strace $0xD0000000  }
0x3: {  	_ = 	snop  }
0x4: {  	_ = 	snop  }
0x5: {  	_ = 	snop  }
0x6: {  	_ = 	snop  }
0x7: {  	_ = 	snop  }
__scs_overlays_trampoline_lowered:
0x8: {  	[smem:$0x3FA6] =	sst s0  }
0x9: {  	[smem:$0x3FA7] =	sst s1  }
0xa: {  	[smem:$0x3FA8] =	sst s2  }
0xb: {  	[smem:$0x3FA9] =	sst s3  }
0xc: {  	[smem:$0x3FAA] =	sst s4  }
0xd: {  	[smem:$0x3FAB] =	sst s5  }
0xe: {  	[smem:$0x3FAC] =	sst s6  }
0xf: {  	[smem:$0x3FAD] =	sst s7  }
0x10: {  	[smem:$0x3FAE] =	sst s8  }
0x11: {  	[smem:$0x3FAF] =	sst s9;
	s0 =	simm.s32 @!p0 $0x0  }
0x12: {  	s1 =	sld [smem:$0x3F95];
	s0 =	simm.s32 @p0 $0x1  }
0x13: {  	[smem:$0x3FB0] =	sst s0;
	s0 =	simm.s32 @!p1 $0x0  }
0x14: {  	s2 =	sld [smem:$0x3F94];
	s0 =	simm.s32 @p1 $0x1  }
0x15: {  	[smem:$0x3FB1] =	sst s0;
	s0 =	simm.s32 @!p2 $0x0  }
0x16: {  	s3 =	sld [smem:$0x3FDB];
	s0 =	simm.s32 @p2 $0x1  }
0x17: {  	s4 =	simm.s32 $0x1BF5;
	[smem:$0x3FB3] =	sst s0  }
0x18: {  	s0 =	sld [smem:$0x3F96];
	_ =	swait.ge [sflag:s4], $0x0  }
0x19: {  	s7 =	sld [smem:$0x3F97]  }
0x1a: {  	s8 =	sadd.s32 $0xFFFFE003, lr  }
0x1b: {  	s9 =	sadd.s32 $0xFFFFFEF7, lr;
	s5 =	simm.s32 $0xFFFFFFFF;
	p2 =	slt.u32 s8, $0xFFFFF086  }
0x1c: {  	p1 =	slt.u32 s9, $0xF7A;
	s5 =	simm.s32 @!p2 $0x0  }
0x1d: {  	s5 =	simm.s32 @p1 $0x1;
	p0 =	seq.s32 s7, s2  }
0x1e: {  	s7 =	smul.u32 @!p0 $0xF7A, s2;
	p2 =	seq.s32 @!p0 s5, $0x0  }
0x1f: {  	s9 =	smul.u32 $0xF7A, s1;
	s8 =	simm.s32 @!p0 $0x1BF5;
	p2 =	por !p2, p0  }
0x20: {  	[sflag:s8] =	ssyncset.s32 @!p0 $0xFFFFF086;
	s6 =	sadd.s32 @!p0 s3, s7;
	s7 =	simm.s32 @!p0 $0x108  }
0x21: {  	s3 =	sadd.s32 s3, s9;
	s6 =	sadd.s32 @!p0 $0x88, s6;
	s7 =	simm.s32 @p2 $0x1082  }
0x22: {  	[simem:s7], [sflag:s8] =	dma.local @!p0 [hbm:s6], $0xF7A  }
0x23: {  	s9 =	sor.u32 $0xD0000000, s2;
	s6 =	simm.s32 $0x108;
	_ =	swait.ge @!p0 [sflag:s8], $0x0  }
0x24: {  	s3 =	sadd.s32 $0x88, s3;
	s6 =	simm.s32 @!p1 $0x1082;
	[sflag:s4] =	ssyncset.s32 $0xFFFFF086  }
0x25: {  	[simem:s6], [sflag:s4] =	dma.local [hbm:s3], $0xF7A  }
0x26: {  	[smem:$0x3F97] =	sst s1;
	(tag) =	ssettag s2;
	_ =	strace s9  }
0x27: {  	s1 =	sld [smem:$0x3FA7]  }
0x28: {  	s2 =	sld [smem:$0x3FA8]  }
0x29: {  	s4 =	sld [smem:$0x3FAA]  }
0x2a: {  	p0 =	seq.s32 s5, $0x0;
	s5 =	sld [smem:$0x3FAB]  }
0x2b: {  	s6 =	sld [smem:$0x3FAC]  }
0x2c: {  	s7 =	sld [smem:$0x3FAD]  }
0x2d: {  	s3 =	simm.s32 $0x108;
	s8 =	sld [smem:$0x3FAE]  }
0x2e: {  	s3 =	simm.s32 @!p0 $0x1082;
	s9 =	sld [smem:$0x3FAF]  }
0x2f: {  	lr =	sadd.s32 s0, s3;
	s0 =	sld [smem:$0x3FA6]  }
0x30: {  	s3 =	sld [smem:$0x3FA9]  }
0x31: {  	[smem:$0x3FB2] =	sst s10  }
0x32: {  	s10 =	sld [smem:$0x3FB0];
	_ =	sdelay $0x3  }
0x33: {  	p0 =	seq.s32 s10, $0x1;
	s10 =	sld [smem:$0x3FB2];
	_ =	sdelay $0x3  }
0x34: {  	[smem:$0x3FB2] =	sst s10  }
0x35: {  	s10 =	sld [smem:$0x3FB1];
	_ =	sdelay $0x3  }
0x36: {  	p1 =	seq.s32 s10, $0x1;
	s10 =	sld [smem:$0x3FB2];
	_ =	sdelay $0x3  }
0x37: {  	[smem:$0x3FB2] =	sst s10  }
0x38: {  	s10 =	sld [smem:$0x3FB3]  }
0x39: {  	_ = 	snop;
	(pc) =	sbr.ind lr, $3  }
0x3a: {  	_ = 	snop  }
0x3b: {  	_ = 	snop  }
0x3c: {  	p2 =	seq.s32 s10, $0x1;
	s10 =	sld [smem:$0x3FB2]  }
0x3d: {  	_ =	shalt  }
0x3e: {  	_ =	shalt  }
0x3f: {  	_ =	shalt  }
0x40: {  	_ =	shalt  }
0x41: {  	_ =	shalt  }
0x42: {  	_ =	shalt  }
0x43: {  	_ =	shalt  }
0x44: {  	_ =	shalt  }
0x45: {  	_ =	shalt  }
0x46: {  	_ =	shalt  }
0x47: {  	_ =	shalt  }
0x48: {  	_ =	shalt  }
0x49: {  	_ =	shalt  }
0x4a: {  	_ =	shalt  }
0x4b: {  	_ =	shalt  }
0x4c: {  	_ =	shalt  }
0x4d: {  	_ =	shalt  }
0x4e: {  	_ =	shalt  }
0x4f: {  	_ =	shalt  }
0x50: {  	_ =	shalt  }
0x51: {  	_ =	shalt  }
0x52: {  	_ =	shalt  }
0x53: {  	_ =	shalt  }
0x54: {  	_ =	shalt  }
0x55: {  	_ =	shalt  }
0x56: {  	_ =	shalt  }
0x57: {  	_ =	shalt  }
0x58: {  	_ =	shalt  }
0x59: {  	_ =	shalt  }
0x5a: {  	_ =	shalt  }
0x5b: {  	_ =	shalt  }
0x5c: {  	_ =	shalt  }
0x5d: {  	_ =	shalt  }
0x5e: {  	_ =	shalt  }
0x5f: {  	_ =	shalt  }
0x60: {  	_ =	shalt  }
0x61: {  	_ =	shalt  }
0x62: {  	_ =	shalt  }
0x63: {  	_ =	shalt  }
0x64: {  	_ =	shalt  }
0x65: {  	_ =	shalt  }
0x66: {  	_ =	shalt  }
0x67: {  	_ =	shalt  }
0x68: {  	_ =	shalt  }
0x69: {  	_ =	shalt  }
0x6a: {  	_ =	shalt  }
0x6b: {  	_ =	shalt  }
0x6c: {  	_ =	shalt  }
0x6d: {  	_ =	shalt  }
0x6e: {  	_ =	shalt  }
0x6f: {  	_ =	shalt  }
0x70: {  	_ =	shalt  }
0x71: {  	_ =	shalt  }
0x72: {  	_ =	shalt  }
0x73: {  	_ =	shalt  }
0x74: {  	_ =	shalt  }
0x75: {  	_ =	shalt  }
0x76: {  	_ =	shalt  }
0x77: {  	_ =	shalt  }
0x78: {  	_ =	shalt  }
0x79: {  	_ =	shalt  }
0x7a: {  	_ =	shalt  }
0x7b: {  	_ =	shalt  }
0x7c: {  	_ =	shalt  }
0x7d: {  	_ =	shalt  }
0x7e: {  	_ =	shalt  }
0x7f: {  	_ =	shalt  }
0x80: {  	_ =	shalt  }
0x81: {  	_ =	shalt  }
0x82: {  	_ =	shalt  }
0x83: {  	_ =	shalt  }
0x84: {  	_ =	shalt  }
0x85: {  	_ =	shalt  }
0x86: {  	_ =	shalt  }
0x87: {  	_ =	shalt  }
.Lfunc_end0:
.L_simem_size_0:
called_computation_lowered:
.L_overlay_start_0:
0x88: {  	s2 =	sld [smem:$0x3FD9]  }
0x89: {  	s3 =	sld [smem:$0x3FFE];
	_ =	sdelay $0x1  }
0x8a: {  	s1 =	srdreg.scid  }
0x8b: {  	s0 =	sand.u32 $0x1, s1  }
0x8c: {  	s16 =	sshll.u32 s0, $0xA;
	s2 =	sadd.s32 s3, s2  }
0x8d: {  	s2 =	sadd.s32 s2, s16  }
0x8e: {  	[smem:$0x3FBE] =	sst s2  }
0x8f: {  	_ = 	snop  }
0x90: {  	(tm) =	ssettm $0x1  }
0x91: {  	s17 =	sld [smem:$0x3FFB];
	_ =	sdelay $0x3  }
0x92: {  	_ =	strace s17  }
0x93: {  	s2 =	sld [smem:$0x3FFC];
	_ =	sdelay $0x3  }
0x94: {  	_ =	strace s2  }
0x95: {  	s2 =	sld [smem:$0x3FFD];
	_ =	sdelay $0x3  }
0x96: {  	_ =	strace s2  }
0x97: {  	_ =	strace $0x8FFFFFFF  }
0x98: {  	s18 =	sld [smem:$0x3FDB];
	_ =	sdelay $0x1  }
0x99: {  	s19 =	simm.s32 $_scs_section_size  }
0x9a: {  	s4 =	simm.s32 $_size__tile_overlayer_lowered;
	s5 =	simm.s32 $_tile_overlayer_lowered  }
0x9b: {  	s22 =	simm.s32 $0x1BFF;
	s21 =	sshll.u32 s5, $0x1;
	s2 =	sadd.s32 s19, s18  }
0x9c: {  	s6 =	simm.s32 $0x0;
	s20 =	sshll.u32 s4, $0x1;
	s4 =	sadd.s32 s21, s2  }
0x9d: {  	[timem:s6], [sflag:s22] =	dma.local [hbm:s4], s20  }
0x9e: {  	_ =	swait.ge [sflag:s22], s20  }
0x9f: {  	s3 =	ssub.s32 $0x0, s20;
	[sflag:s22] =	ssyncset.done $0x0  }
0xa0: {  	[sflag:s22] =	ssyncadd.s32 s3;
	_ =	sdelay $0x1  }
0xa1: {  	s23 =	simm.s32 $0x1B8B  }
0xa2: {  	_ =	swait.ge [sflag:s23], $0x1  }
0xa3: {  	[sflag:s23] =	ssyncset.done $0x0  }
0xa4: {  	s25 =	simm.s32 $0x1B8E;
	s24 =	sld [smem:$0x3FFE];
	[sflag:s23] =	ssyncadd.s32 $0xFFFFFFFF  }
0xa5: {  	s26 =	simm.s32 $execute0_lowered;
	[smem:$0x3FD2] =	sst s25  }
0xa6: {  	s4 =	sshll.u32 s26, $0x1;
	_ =	strace $0x80000046;
	[dreg:$0x1] =	wrdreg $0xFFFFFFFF  }
0xa7: {  	s28 =	simm.s32 $_size_execute0_lowered;
	s2 =	sadd.s32 s2, s4;
	[dreg:$0x0] =	wrdreg $0x0  }
0xa8: {  	s4 =	sshll.u32 s28, $0x1;
	[dreg:$0x2] =	wrdreg s2  }
0xa9: {  	[dreg:$0x3] =	wrdreg s4  }
0xaa: {  	[dreg:$0x4] =	wrdreg $0xC0  }
0xab: {  	_ =	task [dreg:s6], $0x5FFFF  }
0xac: {  	[dreg:$0x1] =	wrdreg $0xFFFFFFFF  }
0xad: {  	[dreg:$0x0] =	wrdreg $0x60  }
0xae: {  	[dreg:$0x2] =	wrdreg s24  }
0xaf: {  	[dreg:$0x3] =	wrdreg $0x9  }
0xb0: {  	_ =	task.clear_ibuf [dreg:s6], $0x4FFFF;
	_ =	strace $0x90000046  }
0xb1: {  	s29 =	simm.s32 $0x9;
	_ =	strace $0x80000048  }
0xb2: {  	_ =	swait.ge [sflag:s29], $0x1  }
0xb3: {  	[sflag:s29] =	ssyncadd.s32 $0xFFFFFFFF  }
0xb4: {  	_ =	strace $0x90000048  }
0xb5: {  	_ =	sfence  }
0xb6: {  	s30 =	sld [smem:$0x0];
	_ =	sdelay $0x2  }
0xb7: {  	s31 =	sshll.u32 s1, $0xD;
	s1 =	sshrl.u32 s1, $0x2  }
0xb8: {  	s3 =	sand.u32 $0x4000, s31;
	s1 =	sadd.s32 s1, s30  }
0xb9: {  	s0 =	sor.u32 s3, s0;
	s1 =	sshll.u32 s1, $0x11  }
0xba: {  	s0 =	sor.u32 s1, s0  }
0xbb: {  	s0 =	sadd.s32 $0x8F2B, s0  }
0xbc: {  	[sflag:s0] =	ssyncadd.remote.s32 $0x1  }
0xbd: {  	_ =	sfence.sel $0xFFFF  }
0xbe: {  	[dreg:$0x0] =	wrdreg $0xFFFFFFFF;
	(pc) =	sbr.abs _section_cstart, $3  }
0xbf: {  	[dreg:$0x1] =	wrdreg $0xFFFFFFFF  }
0xc0: {  	_ =	task.clear_ibuf [dreg:s6], $0x2FFFF;
	_ =	strace $0x9FFFFFFF  }
0xc1: {  	(tm) =	ssettm $0x7FFFFFFF  }
tec
execute0_lowered:
.L_overlay_start_1:
0x0: {  	(tag) =	ssettag $0x1  }
0x1: {  	s4 =	rddreg [dreg:$0x0]  }
0x2: {  	s0 =	rddreg [dreg:$0x1];
	s2 =	simm.s32 $0x0  }
0x3: {  	s7 =	simm.s32 $0x6C00;
	[smem:$0x7FF] =	sst s2  }
0x4: {  	s16 =	simm.s32 $0x7400;
	_ =	strace $0x80000047;
	[dreg:$0x2] =	wrdreg s7  }
0x5: {  	s17 =	simm.s32 $0x7C00;
	[dreg:$0x3] =	wrdreg s16  }
0x6: {  	s3 =	srdreg.scid;
	s18 =	simm.s32 $0x8400;
	[dreg:$0x4] =	wrdreg s17  }
0x7: {  	s1 =	stileid.u32;
	s20 =	simm.s32 $0x8C00;
	[dreg:$0x5] =	wrdreg s18  }
0x8: {  	s21 =	simm.s32 $0x9400;
	s22 =	simm.s32 $0x9C00;
	[dreg:$0x6] =	wrdreg s20  }
0x9: {  	s23 =	simm.s32 $0xA400;
	s25 =	simm.s32 $0xAC00;
	[dreg:$0x7] =	wrdreg s21  }
0xa: {  	s26 =	simm.s32 $0xB400;
	s29 =	simm.s32 $0xBC00;
	[dreg:$0x8] =	wrdreg s22  }
0xb: {  	s30 =	simm.s32 $0xC400;
	s31 =	simm.s32 $0xCC00;
	[dreg:$0x9] =	wrdreg s23  }
0xc: {  	s10 =	simm.s32 $0xD400;
	s11 =	simm.s32 $0xE400;
	[dreg:$0xa] =	wrdreg s25  }
0xd: {  	s12 =	simm.s32 $0xEC00;
	s13 =	simm.s32 $0xF400;
	[dreg:$0xb] =	wrdreg s26  }
0xe: {  	s14 =	simm.s32 $0xFC00;
	s5 =	sand.u32 $0x1, s3;
	[dreg:$0xc] =	wrdreg s29  }
0xf: {  	s15 =	sshll.u32 s1, $0x1;
	s3 =	sadd.s32 $0x1800, s4;
	[dreg:$0xd] =	wrdreg s30  }
0x10: {  	s8 =	smul.u32 $0x19000, s1;
	s6 =	sor.u32 s5, s15;
	[dreg:$0xe] =	wrdreg s31  }
0x11: {  	s19 =	ssub.s32 $0x2, s5;
	s24 =	smul.u32 $0xC800, s5;
	[dreg:$0xf] =	wrdreg s10  }
0x12: {  	s10 =	simm.s32 $0xDC00;
	s15 =	simm.s32 $0x1;
	s16 =	simm.s32 $0x0  }
0x13: {  	s6 =	smul.u32 $0xC80, s6;
	s8 =	sadd.s32 s8, s4;
	s9 =	sshrl.u32 s19, $0x1  }
0x14: {  	s7 =	ssub.s32 s19, s9;
	s28 =	sadd.s32 s24, s8;
	s8 =	simm.s32 $0x80  }
0x15: {  	s9 =	simm.s32 $0x6400;
	s6 =	sadd.s32 s6, s4;
	s5 =	smax.u32 s7, $0x1  }
0x16: {  	s7 =	simm.s32 $0x2;
	s4 =	sadd.s32 $0x1F1800, s6;
	s6 =	sadd.s32 $0x20A800, s28  }
.LBB2_1:
0x17: {  	[tilespmem:s2], [sflag:$0x2] =	stream.linear.gather [hbm4b:s4+s2], $0x6400, $0x38;
	[tilespmem:$0x10400] =	vst v63  }
0x18: {  	_ =	swait.ge [sflag:s7], $0x6400  }
0x19: {  	[sflag:s7] =	ssyncset.done $0x0  }
0x1a: {  	s17 =	simm.s32 $0x0;
	[sflag:s7] =	ssyncadd.s32 $0xFFFF9C00  }
0x1b: {  	[tilespmem:s9], [sflag:$0x1] =	stream.indirect.gather [hbm4b:s3+s8], $0x10, s17, s8, $0xb8;
	[tilespmem:$0x10400] =	vst v63  }
0x1c: {  	s24 =	simm.s32 $0x80;
	s18 =	rddreg [dreg:$0x2]  }
0x1d: {  	[tilespmem:s18], [sflag:$0x1] =	stream.indirect.gather [hbm4b:s3+s8], $0x10, s24, s8, $0xb8;
	[tilespmem:$0x10400] =	vst v63  }
0x1e: {  	s25 =	simm.s32 $0x100;
	s19 =	rddreg [dreg:$0x3]  }
0x1f: {  	[tilespmem:s19], [sflag:$0x1] =	stream.indirect.gather [hbm4b:s3+s8], $0x10, s25, s8, $0xb8;
	[tilespmem:$0x10400] =	vst v63  }
0x20: {  	s28 =	simm.s32 $0x180;
	s26 =	rddreg [dreg:$0x4]  }
0x21: {  	[tilespmem:s26], [sflag:$0x1] =	stream.indirect.gather [hbm4b:s3+s8], $0x10, s28, s8, $0xb8;
	[tilespmem:$0x10400] =	vst v63  }
0x22: {  	s30 =	simm.s32 $0x200;
	s29 =	rddreg [dreg:$0x5]  }
0x23: {  	[tilespmem:s29], [sflag:$0x1] =	stream.indirect.gather [hbm4b:s3+s8], $0x10, s30, s8, $0xb8;
	[tilespmem:$0x10400] =	vst v63  }
0x24: {  	s31 =	rddreg [dreg:$0x6];
	s19 =	simm.s32 $0x280  }
0x25: {  	[tilespmem:s31], [sflag:$0x1] =	stream.indirect.gather [hbm4b:s3+s8], $0x10, s19, s8, $0xb8;
	[tilespmem:$0x10400] =	vst v63  }
0x26: {  	s21 =	simm.s32 $0x300;
	s20 =	rddreg [dreg:$0x7]  }
0x27: {  	[tilespmem:s20], [sflag:$0x1] =	stream.indirect.gather [hbm4b:s3+s8], $0x10, s21, s8, $0xb8;
	[tilespmem:$0x10400] =	vst v63  }
0x28: {  	s23 =	simm.s32 $0x380;
	s22 =	rddreg [dreg:$0x8]  }
0x29: {  	[tilespmem:s22], [sflag:$0x1] =	stream.indirect.gather [hbm4b:s3+s8], $0x10, s23, s8, $0xb8;
	[tilespmem:$0x10400] =	vst v63  }
0x2a: {  	s24 =	rddreg [dreg:$0x9];
	s25 =	simm.s32 $0x400  }
0x2b: {  	[tilespmem:s24], [sflag:$0x1] =	stream.indirect.gather [hbm4b:s3+s8], $0x10, s25, s8, $0xb8;
	[tilespmem:$0x10400] =	vst v63  }
0x2c: {  	s26 =	rddreg [dreg:$0xa];
	s28 =	simm.s32 $0x480  }
0x2d: {  	[tilespmem:s26], [sflag:$0x1] =	stream.indirect.gather [hbm4b:s3+s8], $0x10, s28, s8, $0xb8;
	[tilespmem:$0x10400] =	vst v63  }
0x2e: {  	s29 =	rddreg [dreg:$0xb];
	s30 =	simm.s32 $0x500  }
0x2f: {  	[tilespmem:s29], [sflag:$0x1] =	stream.indirect.gather [hbm4b:s3+s8], $0x10, s30, s8, $0xb8;
	[tilespmem:$0x10400] =	vst v63  }
0x30: {  	s31 =	rddreg [dreg:$0xc];
	s19 =	simm.s32 $0x580  }
0x31: {  	[tilespmem:s31], [sflag:$0x1] =	stream.indirect.gather [hbm4b:s3+s8], $0x10, s19, s8, $0xb8;
	[tilespmem:$0x10400] =	vst v63  }
0x32: {  	s20 =	rddreg [dreg:$0xd];
	s21 =	simm.s32 $0x600  }
0x33: {  	[tilespmem:s20], [sflag:$0x1] =	stream.indirect.gather [hbm4b:s3+s8], $0x10, s21, s8, $0xb8;
	[tilespmem:$0x10400] =	vst v63  }
0x34: {  	s22 =	rddreg [dreg:$0xe];
	s23 =	simm.s32 $0x680  }
0x35: {  	[tilespmem:s22], [sflag:$0x1] =	stream.indirect.gather [hbm4b:s3+s8], $0x10, s23, s8, $0xb8;
	[tilespmem:$0x10400] =	vst v63  }
0x36: {  	s24 =	rddreg [dreg:$0xf];
	s25 =	simm.s32 $0x700  }
0x37: {  	[tilespmem:s24], [sflag:$0x1] =	stream.indirect.gather [hbm4b:s3+s8], $0x10, s25, s8, $0xb8;
	[tilespmem:$0x10400] =	vst v63  }
0x38: {  	s26 =	simm.s32 $0x780  }
0x39: {  	[tilespmem:s10], [sflag:$0x1] =	stream.indirect.gather [hbm4b:s3+s8], $0x10, s26, s8, $0xb8;
	[tilespmem:$0x10400] =	vst v63  }
0x3a: {  	s28 =	simm.s32 $0x800  }
0x3b: {  	[tilespmem:s11], [sflag:$0x1] =	stream.indirect.gather [hbm4b:s3+s8], $0x10, s28, s8, $0xb8;
	[tilespmem:$0x10400] =	vst v63  }
0x3c: {  	s29 =	simm.s32 $0x880  }
0x3d: {  	[tilespmem:s12], [sflag:$0x1] =	stream.indirect.gather [hbm4b:s3+s8], $0x10, s29, s8, $0xb8;
	[tilespmem:$0x10400] =	vst v63  }
0x3e: {  	s30 =	simm.s32 $0x900  }
0x3f: {  	[tilespmem:s13], [sflag:$0x1] =	stream.indirect.gather [hbm4b:s3+s8], $0x10, s30, s8, $0xb8;
	[tilespmem:$0x10400] =	vst v63  }
0x40: {  	s31 =	simm.s32 $0x980  }
0x41: {  	[tilespmem:s14], [sflag:$0x1] =	stream.indirect.gather [hbm4b:s3+s8], $0x10, s31, s8, $0xb8;
	[tilespmem:$0x10400] =	vst v63  }
0x42: {  	_ =	swait.ge [sflag:s15], $0x800  }
0x43: {  	[sflag:s15] =	ssyncset.done $0x0  }
0x44: {  	[sflag:s15] =	ssyncadd.s32 $0xFFFFF800  }
0x45: {  	_ =	swait.ge [sflag:s15], $0x800  }
0x46: {  	[sflag:s15] =	ssyncset.done $0x0  }
0x47: {  	[sflag:s15] =	ssyncadd.s32 $0xFFFFF800  }
0x48: {  	_ =	swait.ge [sflag:s15], $0x800  }
0x49: {  	[sflag:s15] =	ssyncset.done $0x0  }
0x4a: {  	[sflag:s15] =	ssyncadd.s32 $0xFFFFF800  }
0x4b: {  	_ =	swait.ge [sflag:s15], $0x800  }
0x4c: {  	[sflag:s15] =	ssyncset.done $0x0  }
0x4d: {  	[sflag:s15] =	ssyncadd.s32 $0xFFFFF800  }
0x4e: {  	_ =	swait.ge [sflag:s15], $0x800  }
0x4f: {  	[sflag:s15] =	ssyncset.done $0x0  }
0x50: {  	[sflag:s15] =	ssyncadd.s32 $0xFFFFF800  }
0x51: {  	_ =	swait.ge [sflag:s15], $0x800  }
0x52: {  	[sflag:s15] =	ssyncset.done $0x0  }
0x53: {  	[sflag:s15] =	ssyncadd.s32 $0xFFFFF800  }
0x54: {  	_ =	swait.ge [sflag:s15], $0x800  }
0x55: {  	[sflag:s15] =	ssyncset.done $0x0  }
0x56: {  	[sflag:s15] =	ssyncadd.s32 $0xFFFFF800  }
0x57: {  	_ =	swait.ge [sflag:s15], $0x800  }
0x58: {  	[sflag:s15] =	ssyncset.done $0x0  }
0x59: {  	[sflag:s15] =	ssyncadd.s32 $0xFFFFF800  }
0x5a: {  	_ =	swait.ge [sflag:s15], $0x800  }
0x5b: {  	[sflag:s15] =	ssyncset.done $0x0  }
0x5c: {  	[sflag:s15] =	ssyncadd.s32 $0xFFFFF800  }
0x5d: {  	_ =	swait.ge [sflag:s15], $0x800  }
0x5e: {  	[sflag:s15] =	ssyncset.done $0x0  }
0x5f: {  	[sflag:s15] =	ssyncadd.s32 $0xFFFFF800  }
0x60: {  	_ =	swait.ge [sflag:s15], $0x800  }
0x61: {  	[sflag:s15] =	ssyncset.done $0x0  }
0x62: {  	[sflag:s15] =	ssyncadd.s32 $0xFFFFF800  }
0x63: {  	_ =	swait.ge [sflag:s15], $0x800  }
0x64: {  	[sflag:s15] =	ssyncset.done $0x0  }
0x65: {  	[sflag:s15] =	ssyncadd.s32 $0xFFFFF800  }
0x66: {  	_ =	swait.ge [sflag:s15], $0x800  }
0x67: {  	[sflag:s15] =	ssyncset.done $0x0  }
0x68: {  	[sflag:s15] =	ssyncadd.s32 $0xFFFFF800  }
0x69: {  	_ =	swait.ge [sflag:s15], $0x800  }
0x6a: {  	[sflag:s15] =	ssyncset.done $0x0  }
0x6b: {  	[sflag:s15] =	ssyncadd.s32 $0xFFFFF800  }
0x6c: {  	_ =	swait.ge [sflag:s15], $0x800  }
0x6d: {  	[sflag:s15] =	ssyncset.done $0x0  }
0x6e: {  	[sflag:s15] =	ssyncadd.s32 $0xFFFFF800  }
0x6f: {  	_ =	swait.ge [sflag:s15], $0x800  }
0x70: {  	[sflag:s15] =	ssyncset.done $0x0  }
0x71: {  	[sflag:s15] =	ssyncadd.s32 $0xFFFFF800  }
0x72: {  	_ =	swait.ge [sflag:s15], $0x800  }
0x73: {  	[sflag:s15] =	ssyncset.done $0x0  }
0x74: {  	[sflag:s15] =	ssyncadd.s32 $0xFFFFF800  }
0x75: {  	_ =	swait.ge [sflag:s15], $0x800  }
0x76: {  	[sflag:s15] =	ssyncset.done $0x0  }
0x77: {  	[sflag:s15] =	ssyncadd.s32 $0xFFFFF800  }
0x78: {  	_ =	swait.ge [sflag:s15], $0x800  }
0x79: {  	[sflag:s15] =	ssyncset.done $0x0  }
0x7a: {  	[sflag:s15] =	ssyncadd.s32 $0xFFFFF800  }
0x7b: {  	_ =	swait.ge [sflag:s15], $0x800  }
0x7c: {  	[sflag:s15] =	ssyncset.done $0x0  }
0x7d: {  	[sflag:s15] =	ssyncadd.s32 $0xFFFFF800  }
0x7e: {  	[hbm4b:s6+s2] =	stream.linear.scatter [tilespmem:s9], [sflag:$0x2], $0xA000, $0x38;
	[tilespmem:$0x10400] =	vst v63  }
0x7f: {  	s17 =	sadd.s32 $0x1400, s6;
	_ =	swait.ge [sflag:s7], $0xA000  }
0x80: {  	s18 =	simm.s32 $0x2800;
	s21 =	simm.s32 $0x5000;
	[sflag:s7] =	ssyncset.done $0x0  }
.LBB2_2:
0x81: {  	s20 =	sshra.s32 s18, $0x2;
	[sflag:s7] =	ssyncadd.s32 $0xFFFF6000  }
0x82: {  	[tilespmem:s9], [sflag:$0x1] =	stream.indirect.gather [hbm4b:s3+s8], $0x10, s20, s8, $0xb8;
	[tilespmem:$0x10400] =	vst v63  }
0x83: {  	s22 =	rddreg [dreg:$0x2];
	s23 =	sadd.s32 $0x80, s20  }
0x84: {  	[tilespmem:s22], [sflag:$0x1] =	stream.indirect.gather [hbm4b:s3+s8], $0x10, s23, s8, $0xb8;
	[tilespmem:$0x10400] =	vst v63  }
0x85: {  	s24 =	rddreg [dreg:$0x3];
	s25 =	sadd.s32 $0x100, s20  }
0x86: {  	[tilespmem:s24], [sflag:$0x1] =	stream.indirect.gather [hbm4b:s3+s8], $0x10, s25, s8, $0xb8;
	[tilespmem:$0x10400] =	vst v63  }
0x87: {  	s26 =	rddreg [dreg:$0x4];
	s28 =	sadd.s32 $0x180, s20  }
0x88: {  	[tilespmem:s26], [sflag:$0x1] =	stream.indirect.gather [hbm4b:s3+s8], $0x10, s28, s8, $0xb8;
	[tilespmem:$0x10400] =	vst v63  }
0x89: {  	s29 =	rddreg [dreg:$0x5];
	s30 =	sadd.s32 $0x200, s20  }
0x8a: {  	[tilespmem:s29], [sflag:$0x1] =	stream.indirect.gather [hbm4b:s3+s8], $0x10, s30, s8, $0xb8;
	[tilespmem:$0x10400] =	vst v63  }
0x8b: {  	s31 =	rddreg [dreg:$0x6];
	s23 =	sadd.s32 $0x280, s20  }
0x8c: {  	[tilespmem:s31], [sflag:$0x1] =	stream.indirect.gather [hbm4b:s3+s8], $0x10, s23, s8, $0xb8;
	[tilespmem:$0x10400] =	vst v63  }
0x8d: {  	s24 =	rddreg [dreg:$0x7];
	s25 =	sadd.s32 $0x300, s20  }
0x8e: {  	[tilespmem:s24], [sflag:$0x1] =	stream.indirect.gather [hbm4b:s3+s8], $0x10, s25, s8, $0xb8;
	[tilespmem:$0x10400] =	vst v63  }
0x8f: {  	s26 =	rddreg [dreg:$0x8];
	s28 =	sadd.s32 $0x380, s20  }
0x90: {  	[tilespmem:s26], [sflag:$0x1] =	stream.indirect.gather [hbm4b:s3+s8], $0x10, s28, s8, $0xb8;
	[tilespmem:$0x10400] =	vst v63  }
0x91: {  	s29 =	rddreg [dreg:$0x9];
	s30 =	sadd.s32 $0x400, s20  }
0x92: {  	[tilespmem:s29], [sflag:$0x1] =	stream.indirect.gather [hbm4b:s3+s8], $0x10, s30, s8, $0xb8;
	[tilespmem:$0x10400] =	vst v63  }
0x93: {  	s31 =	rddreg [dreg:$0xa];
	s23 =	sadd.s32 $0x480, s20  }
0x94: {  	[tilespmem:s31], [sflag:$0x1] =	stream.indirect.gather [hbm4b:s3+s8], $0x10, s23, s8, $0xb8;
	[tilespmem:$0x10400] =	vst v63  }
0x95: {  	s24 =	rddreg [dreg:$0xb];
	s25 =	sadd.s32 $0x500, s20  }
0x96: {  	[tilespmem:s24], [sflag:$0x1] =	stream.indirect.gather [hbm4b:s3+s8], $0x10, s25, s8, $0xb8;
	[tilespmem:$0x10400] =	vst v63  }
0x97: {  	s26 =	rddreg [dreg:$0xc];
	s28 =	sadd.s32 $0x580, s20  }
0x98: {  	[tilespmem:s26], [sflag:$0x1] =	stream.indirect.gather [hbm4b:s3+s8], $0x10, s28, s8, $0xb8;
	[tilespmem:$0x10400] =	vst v63  }
0x99: {  	s29 =	rddreg [dreg:$0xd];
	s30 =	sadd.s32 $0x600, s20  }
0x9a: {  	[tilespmem:s29], [sflag:$0x1] =	stream.indirect.gather [hbm4b:s3+s8], $0x10, s30, s8, $0xb8;
	[tilespmem:$0x10400] =	vst v63  }
0x9b: {  	s31 =	rddreg [dreg:$0xe];
	s24 =	sadd.s32 $0x680, s20  }
0x9c: {  	[tilespmem:s31], [sflag:$0x1] =	stream.indirect.gather [hbm4b:s3+s8], $0x10, s24, s8, $0xb8;
	[tilespmem:$0x10400] =	vst v63  }
0x9d: {  	s25 =	rddreg [dreg:$0xf];
	s26 =	sadd.s32 $0x700, s20  }
0x9e: {  	[tilespmem:s25], [sflag:$0x1] =	stream.indirect.gather [hbm4b:s3+s8], $0x10, s26, s8, $0xb8;
	[tilespmem:$0x10400] =	vst v63  }
0x9f: {  	s28 =	sadd.s32 $0x780, s20  }
0xa0: {  	[tilespmem:s10], [sflag:$0x1] =	stream.indirect.gather [hbm4b:s3+s8], $0x10, s28, s8, $0xb8;
	[tilespmem:$0x10400] =	vst v63  }
0xa1: {  	s29 =	sadd.s32 $0x800, s20  }
0xa2: {  	[tilespmem:s11], [sflag:$0x1] =	stream.indirect.gather [hbm4b:s3+s8], $0x10, s29, s8, $0xb8;
	[tilespmem:$0x10400] =	vst v63  }
0xa3: {  	s30 =	sadd.s32 $0x880, s20  }
0xa4: {  	[tilespmem:s12], [sflag:$0x1] =	stream.indirect.gather [hbm4b:s3+s8], $0x10, s30, s8, $0xb8;
	[tilespmem:$0x10400] =	vst v63  }
0xa5: {  	s31 =	sadd.s32 $0x900, s20  }
0xa6: {  	[tilespmem:s13], [sflag:$0x1] =	stream.indirect.gather [hbm4b:s3+s8], $0x10, s31, s8, $0xb8;
	[tilespmem:$0x10400] =	vst v63  }
0xa7: {  	s20 =	sadd.s32 $0x980, s20  }
0xa8: {  	[tilespmem:s14], [sflag:$0x1] =	stream.indirect.gather [hbm4b:s3+s8], $0x10, s20, s8, $0xb8;
	[tilespmem:$0x10400] =	vst v63  }
0xa9: {  	_ =	swait.ge [sflag:s15], $0x800  }
0xaa: {  	[sflag:s15] =	ssyncset.done $0x0  }
0xab: {  	[sflag:s15] =	ssyncadd.s32 $0xFFFFF800  }
0xac: {  	_ =	swait.ge [sflag:s15], $0x800  }
0xad: {  	[sflag:s15] =	ssyncset.done $0x0  }
0xae: {  	[sflag:s15] =	ssyncadd.s32 $0xFFFFF800  }
0xaf: {  	_ =	swait.ge [sflag:s15], $0x800  }
0xb0: {  	[sflag:s15] =	ssyncset.done $0x0  }
0xb1: {  	[sflag:s15] =	ssyncadd.s32 $0xFFFFF800  }
0xb2: {  	_ =	swait.ge [sflag:s15], $0x800  }
0xb3: {  	[sflag:s15] =	ssyncset.done $0x0  }
0xb4: {  	[sflag:s15] =	ssyncadd.s32 $0xFFFFF800  }
0xb5: {  	_ =	swait.ge [sflag:s15], $0x800  }
0xb6: {  	[sflag:s15] =	ssyncset.done $0x0  }
0xb7: {  	[sflag:s15] =	ssyncadd.s32 $0xFFFFF800  }
0xb8: {  	_ =	swait.ge [sflag:s15], $0x800  }
0xb9: {  	[sflag:s15] =	ssyncset.done $0x0  }
0xba: {  	[sflag:s15] =	ssyncadd.s32 $0xFFFFF800  }
0xbb: {  	_ =	swait.ge [sflag:s15], $0x800  }
0xbc: {  	[sflag:s15] =	ssyncset.done $0x0  }
0xbd: {  	[sflag:s15] =	ssyncadd.s32 $0xFFFFF800  }
0xbe: {  	_ =	swait.ge [sflag:s15], $0x800  }
0xbf: {  	[sflag:s15] =	ssyncset.done $0x0  }
0xc0: {  	[sflag:s15] =	ssyncadd.s32 $0xFFFFF800  }
0xc1: {  	_ =	swait.ge [sflag:s15], $0x800  }
0xc2: {  	[sflag:s15] =	ssyncset.done $0x0  }
0xc3: {  	[sflag:s15] =	ssyncadd.s32 $0xFFFFF800  }
0xc4: {  	_ =	swait.ge [sflag:s15], $0x800  }
0xc5: {  	[sflag:s15] =	ssyncset.done $0x0  }
0xc6: {  	[sflag:s15] =	ssyncadd.s32 $0xFFFFF800  }
0xc7: {  	_ =	swait.ge [sflag:s15], $0x800  }
0xc8: {  	[sflag:s15] =	ssyncset.done $0x0  }
0xc9: {  	[sflag:s15] =	ssyncadd.s32 $0xFFFFF800  }
0xca: {  	_ =	swait.ge [sflag:s15], $0x800  }
0xcb: {  	[sflag:s15] =	ssyncset.done $0x0  }
0xcc: {  	[sflag:s15] =	ssyncadd.s32 $0xFFFFF800  }
0xcd: {  	_ =	swait.ge [sflag:s15], $0x800  }
0xce: {  	[sflag:s15] =	ssyncset.done $0x0  }
0xcf: {  	[sflag:s15] =	ssyncadd.s32 $0xFFFFF800  }
0xd0: {  	_ =	swait.ge [sflag:s15], $0x800  }
0xd1: {  	[sflag:s15] =	ssyncset.done $0x0  }
0xd2: {  	[sflag:s15] =	ssyncadd.s32 $0xFFFFF800  }
0xd3: {  	_ =	swait.ge [sflag:s15], $0x800  }
0xd4: {  	[sflag:s15] =	ssyncset.done $0x0  }
0xd5: {  	[sflag:s15] =	ssyncadd.s32 $0xFFFFF800  }
0xd6: {  	_ =	swait.ge [sflag:s15], $0x800  }
0xd7: {  	[sflag:s15] =	ssyncset.done $0x0  }
0xd8: {  	[sflag:s15] =	ssyncadd.s32 $0xFFFFF800  }
0xd9: {  	_ =	swait.ge [sflag:s15], $0x800  }
0xda: {  	[sflag:s15] =	ssyncset.done $0x0  }
0xdb: {  	[sflag:s15] =	ssyncadd.s32 $0xFFFFF800  }
0xdc: {  	_ =	swait.ge [sflag:s15], $0x800  }
0xdd: {  	[sflag:s15] =	ssyncset.done $0x0  }
0xde: {  	[sflag:s15] =	ssyncadd.s32 $0xFFFFF800  }
0xdf: {  	_ =	swait.ge [sflag:s15], $0x800  }
0xe0: {  	[sflag:s15] =	ssyncset.done $0x0  }
0xe1: {  	[sflag:s15] =	ssyncadd.s32 $0xFFFFF800  }
0xe2: {  	p0 =	sne.s32 s21, $0x16800;
	_ =	swait.ge [sflag:s15], $0x800  }
.Ltmp0:
0xe3: {  	[sflag:s15] =	ssyncset.done $0x0;
	(pc) =	sbr.rel @p0 .LBB2_2-.Ltmp0, $4  }
0xe4: {  	[sflag:s15] =	ssyncadd.s32 $0xFFFFF800  }
0xe5: {  	[hbm4b:s17+s2] =	stream.linear.scatter [tilespmem:s9], [sflag:$0x2], $0xA000, $0x38;
	[tilespmem:$0x10400] =	vst v63  }
0xe6: {  	s18 =	smov.u32 s21;
	s19 =	sadd.s32 $0x2800, s21;
	_ =	swait.ge [sflag:s7], $0xA000  }
0xe7: {  	s21 =	smov.u32 s19;
	s17 =	sadd.s32 $0x1400, s17;
	[sflag:s7] =	ssyncset.done $0x0  }
0xe8: {  	s18 =	sshra.s32 s18, $0x2;
	[sflag:s7] =	ssyncadd.s32 $0xFFFF6000  }
0xe9: {  	[tilespmem:s9], [sflag:$0x1] =	stream.indirect.gather [hbm4b:s3+s8], $0x10, s18, s8, $0xb8;
	[tilespmem:$0x10400] =	vst v63  }
0xea: {  	s19 =	rddreg [dreg:$0x2];
	s20 =	sadd.s32 $0x80, s18  }
0xeb: {  	[tilespmem:s19], [sflag:$0x1] =	stream.indirect.gather [hbm4b:s3+s8], $0x10, s20, s8, $0xb8;
	[tilespmem:$0x10400] =	vst v63  }
0xec: {  	s21 =	rddreg [dreg:$0x3];
	s20 =	sadd.s32 $0x100, s18  }
0xed: {  	[tilespmem:s21], [sflag:$0x1] =	stream.indirect.gather [hbm4b:s3+s8], $0x10, s20, s8, $0xb8;
	[tilespmem:$0x10400] =	vst v63  }
0xee: {  	s22 =	rddreg [dreg:$0x4];
	s23 =	sadd.s32 $0x180, s18  }
0xef: {  	[tilespmem:s22], [sflag:$0x1] =	stream.indirect.gather [hbm4b:s3+s8], $0x10, s23, s8, $0xb8;
	[tilespmem:$0x10400] =	vst v63  }
0xf0: {  	s24 =	rddreg [dreg:$0x5];
	s25 =	sadd.s32 $0x200, s18  }
0xf1: {  	[tilespmem:s24], [sflag:$0x1] =	stream.indirect.gather [hbm4b:s3+s8], $0x10, s25, s8, $0xb8;
	[tilespmem:$0x10400] =	vst v63  }
0xf2: {  	s26 =	rddreg [dreg:$0x6];
	s28 =	sadd.s32 $0x280, s18  }
0xf3: {  	[tilespmem:s26], [sflag:$0x1] =	stream.indirect.gather [hbm4b:s3+s8], $0x10, s28, s8, $0xb8;
	[tilespmem:$0x10400] =	vst v63  }
0xf4: {  	s29 =	rddreg [dreg:$0x7];
	s30 =	sadd.s32 $0x300, s18  }
0xf5: {  	[tilespmem:s29], [sflag:$0x1] =	stream.indirect.gather [hbm4b:s3+s8], $0x10, s30, s8, $0xb8;
	[tilespmem:$0x10400] =	vst v63  }
0xf6: {  	s31 =	rddreg [dreg:$0x8];
	s21 =	sadd.s32 $0x380, s18  }
0xf7: {  	[tilespmem:s31], [sflag:$0x1] =	stream.indirect.gather [hbm4b:s3+s8], $0x10, s21, s8, $0xb8;
	[tilespmem:$0x10400] =	vst v63  }
0xf8: {  	s22 =	rddreg [dreg:$0x9];
	s23 =	sadd.s32 $0x400, s18  }
0xf9: {  	[tilespmem:s22], [sflag:$0x1] =	stream.indirect.gather [hbm4b:s3+s8], $0x10, s23, s8, $0xb8;
	[tilespmem:$0x10400] =	vst v63  }
0xfa: {  	s24 =	rddreg [dreg:$0xa];
	s25 =	sadd.s32 $0x480, s18  }
0xfb: {  	[tilespmem:s24], [sflag:$0x1] =	stream.indirect.gather [hbm4b:s3+s8], $0x10, s25, s8, $0xb8;
	[tilespmem:$0x10400] =	vst v63  }
0xfc: {  	s26 =	rddreg [dreg:$0xb];
	s28 =	sadd.s32 $0x500, s18  }
0xfd: {  	[tilespmem:s26], [sflag:$0x1] =	stream.indirect.gather [hbm4b:s3+s8], $0x10, s28, s8, $0xb8;
	[tilespmem:$0x10400] =	vst v63  }
0xfe: {  	s29 =	rddreg [dreg:$0xc];
	s30 =	sadd.s32 $0x580, s18  }
0xff: {  	[tilespmem:s29], [sflag:$0x1] =	stream.indirect.gather [hbm4b:s3+s8], $0x10, s30, s8, $0xb8;
	[tilespmem:$0x10400] =	vst v63  }
0x100: {  	s31 =	rddreg [dreg:$0xd];
	s22 =	sadd.s32 $0x600, s18  }
0x101: {  	[tilespmem:s31], [sflag:$0x1] =	stream.indirect.gather [hbm4b:s3+s8], $0x10, s22, s8, $0xb8;
	[tilespmem:$0x10400] =	vst v63  }
0x102: {  	s23 =	rddreg [dreg:$0xe];
	s24 =	sadd.s32 $0x680, s18  }
0x103: {  	[tilespmem:s23], [sflag:$0x1] =	stream.indirect.gather [hbm4b:s3+s8], $0x10, s24, s8, $0xb8;
	[tilespmem:$0x10400] =	vst v63  }
0x104: {  	s25 =	rddreg [dreg:$0xf];
	s26 =	sadd.s32 $0x700, s18  }
0x105: {  	[tilespmem:s25], [sflag:$0x1] =	stream.indirect.gather [hbm4b:s3+s8], $0x10, s26, s8, $0xb8;
	[tilespmem:$0x10400] =	vst v63  }
0x106: {  	s28 =	sadd.s32 $0x780, s18  }
0x107: {  	[tilespmem:s10], [sflag:$0x1] =	stream.indirect.gather [hbm4b:s3+s8], $0x10, s28, s8, $0xb8;
	[tilespmem:$0x10400] =	vst v63  }
0x108: {  	s29 =	sadd.s32 $0x800, s18  }
0x109: {  	[tilespmem:s11], [sflag:$0x1] =	stream.indirect.gather [hbm4b:s3+s8], $0x10, s29, s8, $0xb8;
	[tilespmem:$0x10400] =	vst v63  }
0x10a: {  	s30 =	sadd.s32 $0x880, s18  }
0x10b: {  	[tilespmem:s12], [sflag:$0x1] =	stream.indirect.gather [hbm4b:s3+s8], $0x10, s30, s8, $0xb8;
	[tilespmem:$0x10400] =	vst v63  }
0x10c: {  	s31 =	sadd.s32 $0x900, s18  }
0x10d: {  	[tilespmem:s13], [sflag:$0x1] =	stream.indirect.gather [hbm4b:s3+s8], $0x10, s31, s8, $0xb8;
	[tilespmem:$0x10400] =	vst v63  }
0x10e: {  	s18 =	sadd.s32 $0x980, s18  }
0x10f: {  	[tilespmem:s14], [sflag:$0x1] =	stream.indirect.gather [hbm4b:s3+s8], $0x10, s18, s8, $0xb8;
	[tilespmem:$0x10400] =	vst v63  }
0x110: {  	_ =	swait.ge [sflag:s15], $0x800  }
0x111: {  	[sflag:s15] =	ssyncset.done $0x0  }
0x112: {  	[sflag:s15] =	ssyncadd.s32 $0xFFFFF800  }
0x113: {  	_ =	swait.ge [sflag:s15], $0x800  }
0x114: {  	[sflag:s15] =	ssyncset.done $0x0  }
0x115: {  	[sflag:s15] =	ssyncadd.s32 $0xFFFFF800  }
0x116: {  	_ =	swait.ge [sflag:s15], $0x800  }
0x117: {  	[sflag:s15] =	ssyncset.done $0x0  }
0x118: {  	[sflag:s15] =	ssyncadd.s32 $0xFFFFF800  }
0x119: {  	_ =	swait.ge [sflag:s15], $0x800  }
0x11a: {  	[sflag:s15] =	ssyncset.done $0x0  }
0x11b: {  	[sflag:s15] =	ssyncadd.s32 $0xFFFFF800  }
0x11c: {  	_ =	swait.ge [sflag:s15], $0x800  }
0x11d: {  	[sflag:s15] =	ssyncset.done $0x0  }
0x11e: {  	[sflag:s15] =	ssyncadd.s32 $0xFFFFF800  }
0x11f: {  	_ =	swait.ge [sflag:s15], $0x800  }
0x120: {  	[sflag:s15] =	ssyncset.done $0x0  }
0x121: {  	[sflag:s15] =	ssyncadd.s32 $0xFFFFF800  }
0x122: {  	_ =	swait.ge [sflag:s15], $0x800  }
0x123: {  	[sflag:s15] =	ssyncset.done $0x0  }
0x124: {  	[sflag:s15] =	ssyncadd.s32 $0xFFFFF800  }
0x125: {  	_ =	swait.ge [sflag:s15], $0x800  }
0x126: {  	[sflag:s15] =	ssyncset.done $0x0  }
0x127: {  	[sflag:s15] =	ssyncadd.s32 $0xFFFFF800  }
0x128: {  	_ =	swait.ge [sflag:s15], $0x800  }
0x129: {  	[sflag:s15] =	ssyncset.done $0x0  }
0x12a: {  	[sflag:s15] =	ssyncadd.s32 $0xFFFFF800  }
0x12b: {  	_ =	swait.ge [sflag:s15], $0x800  }
0x12c: {  	[sflag:s15] =	ssyncset.done $0x0  }
0x12d: {  	[sflag:s15] =	ssyncadd.s32 $0xFFFFF800  }
0x12e: {  	_ =	swait.ge [sflag:s15], $0x800  }
0x12f: {  	[sflag:s15] =	ssyncset.done $0x0  }
0x130: {  	[sflag:s15] =	ssyncadd.s32 $0xFFFFF800  }
0x131: {  	_ =	swait.ge [sflag:s15], $0x800  }
0x132: {  	[sflag:s15] =	ssyncset.done $0x0  }
0x133: {  	[sflag:s15] =	ssyncadd.s32 $0xFFFFF800  }
0x134: {  	_ =	swait.ge [sflag:s15], $0x800  }
0x135: {  	[sflag:s15] =	ssyncset.done $0x0  }
0x136: {  	[sflag:s15] =	ssyncadd.s32 $0xFFFFF800  }
0x137: {  	_ =	swait.ge [sflag:s15], $0x800  }
0x138: {  	[sflag:s15] =	ssyncset.done $0x0  }
0x139: {  	[sflag:s15] =	ssyncadd.s32 $0xFFFFF800  }
0x13a: {  	_ =	swait.ge [sflag:s15], $0x800  }
0x13b: {  	[sflag:s15] =	ssyncset.done $0x0  }
0x13c: {  	[sflag:s15] =	ssyncadd.s32 $0xFFFFF800  }
0x13d: {  	_ =	swait.ge [sflag:s15], $0x800  }
0x13e: {  	[sflag:s15] =	ssyncset.done $0x0  }
0x13f: {  	[sflag:s15] =	ssyncadd.s32 $0xFFFFF800  }
0x140: {  	_ =	swait.ge [sflag:s15], $0x800  }
0x141: {  	[sflag:s15] =	ssyncset.done $0x0  }
0x142: {  	[sflag:s15] =	ssyncadd.s32 $0xFFFFF800  }
0x143: {  	_ =	swait.ge [sflag:s15], $0x800  }
0x144: {  	[sflag:s15] =	ssyncset.done $0x0  }
0x145: {  	[sflag:s15] =	ssyncadd.s32 $0xFFFFF800  }
0x146: {  	_ =	swait.ge [sflag:s15], $0x800  }
0x147: {  	[sflag:s15] =	ssyncset.done $0x0  }
0x148: {  	[sflag:s15] =	ssyncadd.s32 $0xFFFFF800  }
0x149: {  	s16 =	sadd.s32 $0x1, s16;
	_ =	swait.ge [sflag:s15], $0x800  }
0x14a: {  	p0 =	sne.s32 s16, s5;
	[sflag:s15] =	ssyncset.done $0x0  }
.Ltmp1:
0x14b: {  	[sflag:s15] =	ssyncadd.s32 $0xFFFFF800;
	(pc) =	sbr.rel @p0 .LBB2_1-.Ltmp1, $4  }
0x14c: {  	[hbm4b:s17+s2] =	stream.linear.scatter [tilespmem:s9], [sflag:$0x2], $0xA000, $0x38;
	[tilespmem:$0x10400] =	vst v63  }
0x14d: {  	_ =	swait.ge [sflag:s7], $0xA000  }
0x14e: {  	[sflag:s7] =	ssyncset.done $0x0  }
0x14f: {  	[sflag:s7] =	ssyncadd.s32 $0xFFFF6000  }
0x150: {  	_ =	sfence.sel $0x180000  }
0x151: {  	[bflag:$0x0] =	sbarrier.arrive $0xFFFF  }
0x152: {  	p0 =	sne.s32 s1, $0x0;
	_ =	strace $0x90000047  }
0x153: {  	s0 =	sadd.s32 @!p0 $0x100000, s0;
	[bflag:$0x2] =	sbarrier.arrive $0xFFFF  }
0x154: {  	[sflag:s0] =	ssyncadd.tile.s32 @!p0 $0x1;
	_ =	shalt  }
.Lfunc_end2:
_tile_overlayer_lowered:
.L_overlay_start_2:
0x155: {  	(tag) =	ssettag $0x2  }
0x156: {  	s0 =	rddreg [dreg:$0x0];
	s2 =	stileid.u32  }
0x157: {  	s1 =	rddreg [dreg:$0x1];
	p0 =	sne.s32 s2, $0x0  }
0x158: {  	s3 =	rddreg [dreg:$0x2];
	[bflag:$0x3] =	sbarrier.arrive $0xFFFF;
	s2 =	simm.s32 @!p0 $0x1C02  }
0x159: {  	[timem:s3], [sflag:s2] =	dma.local @!p0 [hbm:s0], s1  }
0x15a: {  	s0 =	simm.s32 @!p0 $0x2  }
0x15b: {  	_ =	swait.ge @!p0 [sflag:s0], s1  }
0x15c: {  	s1 =	ssub.s32 @!p0 $0x0, s1;
	[sflag:s0] =	ssyncset.done @!p0 $0x0  }
0x15d: {  	[sflag:s0] =	ssyncadd.s32 @!p0 s1  }
0x15e: {  	[bflag:$0x3] =	sbarrier.arrive $0xFFFF  }
0x15f: {  	_ =	shalt  }

</sc_bundles>
